<compile_context>
chip_gen: v7x
topology: tpu7x:2x2x1
jax: 0.10.2.dev20260603
libtpu: 0.0.44.dev20260713+nightly
codegen_flags: <defaults>
</compile_context>

<pallas_src>
import functools

import jax
import jax.numpy as jnp
import numpy as np
from jax import lax
from jax.experimental import pallas as pl
from jax.experimental.pallas import tpu as pltpu
from jax.experimental.pallas import tpu_sc as plsc

N = 10000
E = 160000
F = 10
H = 8
D = 64

NC = 2
NS = 16
NW = NC * NS
L = 16

CHUNK = 128
NCH = 40
E_PAD = NW * NCH * CHUNK
NROW = E_PAD // CHUNK
R = 10112
RPT = R // NS
WACC = 96
WOUT = 128
SRCW = 24
ERW = 16

_hp = np.zeros((6, 16), np.int32)
_fp = np.zeros((6, 16), np.int32)
for _j in range(6):
    for _l in range(16):
        _col = 16 * _j + _l
        if _col < 8:
            _hp[_j, _l] = _col
            _fp[_j, _l] = 15
        else:
            _k = _col - 8
            if _k < 80:
                _hp[_j, _l] = _k // 10
                _fp[_j, _l] = _k % 10
            else:
                _hp[_j, _l] = 0
                _fp[_j, _l] = 10
_PATS = np.concatenate([_hp, _fp], axis=0)


def _xlane_gather(x, idx):
    dn = lax.GatherDimensionNumbers(
        offset_dims=(), collapsed_slice_dims=(0,), start_index_map=(0,))
    return lax.gather(x, idx[:, None], dn, (1,),
                      mode=lax.GatherScatterMode.PROMISE_IN_BOUNDS)


def _tables_body(f1_ref, f2_ref, asrc_ref, adst_ref, ei_ref,
                 st_ref, er_ref, si_ref, di_ref):
    f1 = f1_ref[...]
    f2 = f2_ref[...]
    el = jnp.dot(f1, asrc_ref[...], preferred_element_type=jnp.float32)
    er = jnp.dot(f2, adst_ref[...], preferred_element_type=jnp.float32)
    z8 = jnp.zeros((N, 8), jnp.float32)
    z5 = jnp.zeros((N, 5), jnp.float32)
    o1 = jnp.ones((N, 1), jnp.float32)
    st_ref[pl.ds(0, N), :] = jnp.concatenate([el, f1, z5, o1], axis=1)
    st_ref[pl.ds(N, R - N), :] = jnp.zeros((R - N, SRCW), jnp.float32)
    er_ref[pl.ds(0, N), :] = jnp.concatenate([er, z8], axis=1)
    er_ref[pl.ds(N, R - N), :] = jnp.zeros((R - N, ERW), jnp.float32)
    sfull = jnp.concatenate(
        [ei_ref[0, :], jnp.zeros((E_PAD - E,), jnp.int32)])
    dfull = jnp.concatenate(
        [ei_ref[1, :], jnp.full((E_PAD - E,), R - 1, jnp.int32)])
    si_ref[...] = sfull.reshape(NROW, CHUNK)
    di_ref[...] = dfull.reshape(NROW, CHUNK)


def _build_tables(feat1, feat2, a_src, a_dst, ei32):
    return pl.pallas_call(
        _tables_body,
        out_shape=[
            jax.ShapeDtypeStruct((R, SRCW), jnp.float32),
            jax.ShapeDtypeStruct((R, ERW), jnp.float32),
            jax.ShapeDtypeStruct((NROW, CHUNK), jnp.int32),
            jax.ShapeDtypeStruct((NROW, CHUNK), jnp.int32),
        ],
    )(feat1, feat2, a_src, a_dst, ei32)


def _sc_body(st_hbm, er_hbm, sidx_hbm, didx_hbm, pat_hbm, z_hbm, out_hbm,
             accum, sidx, didx, srows, erows, orows, pats,
             sem_s0, sem_s1, sem_e0, sem_e1, sem_o0, sem_o1):
    c = lax.axis_index("c")
    s = lax.axis_index("s")
    wid = c * NS + s
    row0 = s * RPT
    sem_s = (sem_s0, sem_s1)
    sem_e = (sem_e0, sem_e1)
    sem_o = (sem_o0, sem_o1)

    pltpu.sync_copy(z_hbm.at[pl.ds(row0, RPT)], accum.at[pl.ds(row0, RPT)])
    pltpu.sync_copy(sidx_hbm.at[pl.ds(wid * NCH, NCH)], sidx)
    pltpu.sync_copy(didx_hbm.at[pl.ds(wid * NCH, NCH)], didx)
    pltpu.sync_copy(pat_hbm, pats)
    pv0 = tuple(pats[j, :] for j in range(12))
    plsc.subcore_barrier()

    HALF = CHUNK // 2

    def start_gather(ch, b):
        for hf in (0, 1):
            pltpu.async_copy(
                st_hbm.at[sidx.at[ch].at[pl.ds(hf * HALF, HALF)]],
                srows.at[b].at[pl.ds(hf * HALF, HALF)], sem_s[b])
            pltpu.async_copy(
                er_hbm.at[didx.at[ch].at[pl.ds(hf * HALF, HALF)]],
                erows.at[b].at[pl.ds(hf * HALF, HALF)], sem_e[b])

    def wait_gather(ch, b):
        for hf in (0, 1):
            pltpu.make_async_copy(
                st_hbm.at[sidx.at[ch].at[pl.ds(hf * HALF, HALF)]],
                srows.at[b].at[pl.ds(hf * HALF, HALF)], sem_s[b]).wait()
            pltpu.make_async_copy(
                er_hbm.at[didx.at[ch].at[pl.ds(hf * HALF, HALF)]],
                erows.at[b].at[pl.ds(hf * HALF, HALF)], sem_e[b]).wait()

    def start_scatter(ch, b):
        pltpu.async_copy(orows.at[b], accum.at[didx.at[ch]], sem_o[b],
                         add=True)

    def wait_scatter(ch, b):
        pltpu.make_async_copy(orows.at[b], accum.at[didx.at[ch]],
                              sem_o[b]).wait()

    def compute_chunk(b, pv):
        @plsc.parallel_loop(0, CHUNK, step=1, unroll=4, carry=pv)
        def body(e, pvc):
            vel = srows[b, e, pl.ds(0, 16)]
            vft = srows[b, e, pl.ds(8, 16)]
            ver = erows[b, e, pl.ds(0, 16)]
            x = vel + ver
            x = jnp.maximum(x, 0.2 * x)
            w = jnp.exp(x)
            for j in range(6):
                wv = _xlane_gather(w, pvc[j])
                fv = _xlane_gather(vft, pvc[6 + j])
                orows[b, e, pl.ds(16 * j, 16)] = wv * fv
            return pvc
        return body

    start_gather(0, 0)

    def pair_body(i, pv):
        for b in (0, 1):
            ch = 2 * i + b

            wait_gather(ch, b)

            @pl.when(ch + 1 < NCH)
            def _():
                start_gather(ch + 1, 1 - b)

            @pl.when(ch >= 2)
            def _():
                wait_scatter(ch, b)

            pv = compute_chunk(b, pv)
            start_scatter(ch, b)
        return pv

    lax.fori_loop(0, NCH // 2, pair_body, pv0)
    wait_scatter(NCH - 2, 0)
    wait_scatter(NCH - 1, 1)
    plsc.subcore_barrier()
    pltpu.sync_copy(accum.at[pl.ds(row0, RPT)],
                    out_hbm.at[c, pl.ds(row0, RPT), pl.ds(0, WACC)])


_sc_edge = functools.partial(
    pl.kernel,
    out_type=jax.ShapeDtypeStruct((NC, R, WOUT), jnp.float32),
    mesh=plsc.VectorSubcoreMesh(core_axis_name="c", subcore_axis_name="s"),
    compiler_params=pltpu.CompilerParams(use_tc_tiling_on_sc=False),
    scratch_types=[
        pltpu.VMEM_SHARED((R, WACC), jnp.float32),
        pltpu.VMEM((NCH, CHUNK), jnp.int32),
        pltpu.VMEM((NCH, CHUNK), jnp.int32),
        pltpu.VMEM((2, CHUNK, SRCW), jnp.float32),
        pltpu.VMEM((2, CHUNK, ERW), jnp.float32),
        pltpu.VMEM((2, CHUNK, WACC), jnp.float32),
        pltpu.VMEM((12, 16), jnp.int32),
        pltpu.SemaphoreType.DMA,
        pltpu.SemaphoreType.DMA,
        pltpu.SemaphoreType.DMA,
        pltpu.SemaphoreType.DMA,
        pltpu.SemaphoreType.DMA,
        pltpu.SemaphoreType.DMA,
    ],
)(_sc_body)


BLK = 2048


def _finish_body(p_ref, w3t_ref, b3_ref, o_ref):
    combt = jnp.transpose(p_ref[0] + p_ref[1])
    den = combt[0:8, :]
    recip = 1.0 / jnp.where(den > 0.0, den, 1.0)
    for h in range(H):
        ut = combt[8 + F * h:8 + F * (h + 1), :]
        gt = ut * recip[h:h + 1, :]
        o_ref[h] = (jnp.dot(w3t_ref[h], gt,
                            preferred_element_type=jnp.float32)
                    + b3_ref[h][:, None])


def _finish(partials, w3t, bias3):
    return pl.pallas_call(
        _finish_body,
        grid=(pl.cdiv(N, BLK),),
        in_specs=[
            pl.BlockSpec((NC, BLK, WOUT), lambda i: (0, i, 0)),
            pl.BlockSpec((H, D, F), lambda i: (0, 0, 0)),
            pl.BlockSpec((H, D), lambda i: (0, 0)),
        ],
        out_specs=pl.BlockSpec((H, D, BLK), lambda i: (0, 0, i)),
        out_shape=jax.ShapeDtypeStruct((H, D, N), jnp.float32),
    )(partials, w3t, bias3)


def kernel(feat, edge_index, feat1, feat2, W_src, W_dst, attn_l, attn_r, bias):
    del feat
    ei32 = edge_index.astype(jnp.int32)

    W3s = W_src.reshape(F, H, D)
    a_src = jnp.einsum("fhd,hd->fh", W3s, attn_l)
    a_dst = jnp.einsum("fhd,hd->fh", W_dst.reshape(F, H, D), attn_r)
    w3t = W3s.transpose(1, 2, 0)
    bias3 = bias.reshape(H, D)

    src_table, er_table, sidx, didx = _build_tables(
        feat1, feat2, a_src, a_dst, ei32)

    pats = jnp.asarray(_PATS)
    zeros = jnp.zeros((R, WACC), jnp.float32)
    partials = _sc_edge(src_table, er_table, sidx, didx, pats, zeros)

    out_t = _finish(partials, w3t, bias3)
    return jnp.transpose(out_t, (2, 0, 1))

# --- scband reference (transcript-rebuilt; emitter-appended) ---
"""Pipeline reference for scband-gcmcgraph-gat-22497038697223 (READ-ONLY COPY).

The authoritative reference and input builder live on the scoring server;
editing this copy changes nothing except your own understanding.
"""

import jax, jax.numpy as jnp
import numpy as np

N_SRC = 10000
N_DST = 10000
E = 160000
F_IN = 10
H = 8
D = 64


def setup_inputs(seed: int = 0) -> dict:
    key = jax.random.key(seed)
    ks = jax.random.split(key, 9)
    feat = jax.random.normal(ks[0], (N_SRC, F_IN), dtype=jnp.float32)
    edge_index = jax.random.randint(ks[1], (2, E), 0, N_SRC, dtype=jnp.int64)
    # learned node embeddings (xavier-ish scale for [N, 10])
    feat1 = jax.random.normal(ks[2], (N_SRC, F_IN), dtype=jnp.float32) * 0.024
    feat2 = jax.random.normal(ks[3], (N_DST, F_IN), dtype=jnp.float32) * 0.024
    # GATConv params: fc_src/fc_dst (10 -> H*D), attention vectors, bias
    W_src = jax.random.normal(ks[4], (F_IN, H * D), dtype=jnp.float32) * (1.0 / np.sqrt(F_IN))
    W_dst = jax.random.normal(ks[5], (F_IN, H * D), dtype=jnp.float32) * (1.0 / np.sqrt(F_IN))
    attn_l = jax.random.normal(ks[6], (H, D), dtype=jnp.float32) * (1.0 / np.sqrt(D))
    attn_r = jax.random.normal(ks[7], (H, D), dtype=jnp.float32) * (1.0 / np.sqrt(D))
    bias = jnp.zeros((H * D,), dtype=jnp.float32)
    return {
        "feat": feat,
        "edge_index": edge_index,
        "feat1": feat1,
        "feat2": feat2,
        "W_src": W_src,
        "W_dst": W_dst,
        "attn_l": attn_l,
        "attn_r": attn_r,
        "bias": bias,
    }


def reference(feat, edge_index, feat1, feat2, W_src, W_dst, attn_l, attn_r, bias):
    # NOTE: the torch module ignores `feat` and uses its learned (feat1, feat2)
    # embeddings as bipartite node features into GATConv((10,10), 64, 8 heads).
    src = edge_index[0]
    dst = edge_index[1]
    h_src = (feat1 @ W_src).reshape(N_SRC, H, D)
    h_dst = (feat2 @ W_dst).reshape(N_DST, H, D)
    el = jnp.sum(h_src * attn_l[None, :, :], axis=-1)  # [N_SRC, H]
    er = jnp.sum(h_dst * attn_r[None, :, :], axis=-1)  # [N_DST, H]
    e = jax.nn.leaky_relu(el[src] + er[dst], negative_slope=0.2)  # [E, H]
    # edge softmax over incoming edges of each dst node
    m = jax.ops.segment_max(e, dst, num_segments=N_DST)
    m = jnp.where(jnp.isfinite(m), m, 0.0)
    ee = jnp.exp(e - m[dst])
    denom = jax.ops.segment_sum(ee, dst, num_segments=N_DST)
    safe = jnp.where(denom > 0, denom, 1.0)
    alpha = ee / safe[dst]  # [E, H]
    msg = h_src[src] * alpha[:, :, None]  # [E, H, D]
    out = jax.ops.segment_sum(msg, dst, num_segments=N_DST)  # [N_DST, H, D]
    out = out + bias.reshape(1, H, D)
    return out

if __name__ == "__main__":
    import jax
    _d = setup_inputs()
    print(jax.jit(kernel)(*tuple(_d.values())))

</pallas_src>

<mosaic_0001>
#map = affine_map<(d0, d1) -> (0, 0)>
#map1 = affine_map<(d0, d1) -> (0, 0, 0)>
module attributes {stable_mosaic.version = 14 : i64} {
  func.func @_sc_body(%arg0: i32, %arg1: i32, %arg2: memref<10112x24xf32, #tpu.memory_space<hbm>>, %arg3: memref<10112x16xf32, #tpu.memory_space<hbm>>, %arg4: memref<1280x128xi32, #tpu.memory_space<hbm>>, %arg5: memref<1280x128xi32, #tpu.memory_space<hbm>>, %arg6: memref<12x16xi32, #tpu.memory_space<hbm>>, %arg7: memref<10112x96xf32, #tpu.memory_space<hbm>>, %arg8: memref<2x10112x128xf32, #tpu.memory_space<hbm>>, %arg9: memref<10112x96xf32, #tpu.memory_space<vmem_shared>>, %arg10: memref<40x128xi32, #tpu.memory_space<vmem>>, %arg11: memref<40x128xi32, #tpu.memory_space<vmem>>, %arg12: memref<2x128x24xf32, #tpu.memory_space<vmem>>, %arg13: memref<2x128x16xf32, #tpu.memory_space<vmem>>, %arg14: memref<2x128x96xf32, #tpu.memory_space<vmem>>, %arg15: memref<12x16xi32, #tpu.memory_space<vmem>>, %arg16: memref<!tpu.dma_semaphore, #tpu.memory_space<semaphore_mem>>, %arg17: memref<!tpu.dma_semaphore, #tpu.memory_space<semaphore_mem>>, %arg18: memref<!tpu.dma_semaphore, #tpu.memory_space<semaphore_mem>>, %arg19: memref<!tpu.dma_semaphore, #tpu.memory_space<semaphore_mem>>, %arg20: memref<!tpu.dma_semaphore, #tpu.memory_space<semaphore_mem>>, %arg21: memref<!tpu.dma_semaphore, #tpu.memory_space<semaphore_mem>>) attributes {dimension_semantics = [#tpu.dimension_semantics<core_parallel>, #tpu.dimension_semantics<subcore_parallel>], iteration_bounds = array<i64: 2, 16>, scalar_prefetch = 0 : i64, scratch_operands = 13 : i64, tpu.core_type = #tpu.core_type<sc_vector_subcore>, window_params = [{transform_indices = #map}, {transform_indices = #map}, {transform_indices = #map}, {transform_indices = #map}, {transform_indices = #map}, {transform_indices = #map}, {transform_indices = #map1}]} {
    %mul3A = arith.constant 16 : i32
    %mul3A_0 = arith.muli %arg0, %mul3A : i32
    %add3A = arith.addi %mul3A_0, %arg1 : i32
    %mul3A_1 = arith.constant 632 : i32
    %mul3A_2 = arith.muli %arg1, %mul3A_1 : i32
    "tpu.region"() ({
      %run_scoped3A = tpu.sem_alloc : memref<!tpu.dma_semaphore, #tpu.memory_space<semaphore_mem>>
      %dma_start3A_162 = arith.constant 0 : i32
      %dma_start3A_163 = tpu.memref_slice %arg9[%mul3A_2, %dma_start3A_162] : memref<10112x96xf32, #tpu.memory_space<vmem_shared>> -> memref<632x96xf32, #tpu.memory_space<vmem_shared>>
      %dma_start3A_164 = arith.constant 0 : i32
      %dma_start3A_165 = tpu.memref_slice %arg7[%mul3A_2, %dma_start3A_164] : memref<10112x96xf32, #tpu.memory_space<hbm>> -> memref<632x96xf32, #tpu.memory_space<hbm>>
      tpu.enqueue_dma source(%dma_start3A_165 : memref<632x96xf32, #tpu.memory_space<hbm>>) target(%dma_start3A_163 : memref<632x96xf32, #tpu.memory_space<vmem_shared>>) target_semaphore(%run_scoped3A : memref<!tpu.dma_semaphore, #tpu.memory_space<semaphore_mem>>)
      %dma_wait3A_166 = arith.constant 0 : i32
      %dma_wait3A_167 = tpu.memref_slice %arg9[%mul3A_2, %dma_wait3A_166] : memref<10112x96xf32, #tpu.memory_space<vmem_shared>> -> memref<632x96xf32, #tpu.memory_space<vmem_shared>>
      %dma_wait3A_168 = arith.constant 0 : i32
      %dma_wait3A_169 = tpu.memref_slice %arg7[%mul3A_2, %dma_wait3A_168] : memref<10112x96xf32, #tpu.memory_space<hbm>> -> memref<632x96xf32, #tpu.memory_space<hbm>>
      tpu.wait_dma2 semaphore(%run_scoped3A : memref<!tpu.dma_semaphore, #tpu.memory_space<semaphore_mem>>) src(%dma_wait3A_169 : memref<632x96xf32, #tpu.memory_space<hbm>>) dst(%dma_wait3A_167 : memref<632x96xf32, #tpu.memory_space<vmem_shared>>)
      tpu.yield
    }) : () -> ()
    %mul3A_3 = arith.constant 40 : i32
    %mul3A_4 = arith.muli %add3A, %mul3A_3 : i32
    "tpu.region"() ({
      %run_scoped3A = tpu.sem_alloc : memref<!tpu.dma_semaphore, #tpu.memory_space<semaphore_mem>>
      %dma_start3A_162 = arith.constant 0 : i32
      %dma_start3A_163 = tpu.memref_slice %arg4[%mul3A_4, %dma_start3A_162] : memref<1280x128xi32, #tpu.memory_space<hbm>> -> memref<40x128xi32, #tpu.memory_space<hbm>>
      %dma_start3A_164 = arith.constant 0 : i32
      %dma_start3A_165 = tpu.memref_slice %arg4[%mul3A_4, %dma_start3A_164] : memref<1280x128xi32, #tpu.memory_space<hbm>> -> memref<40x128xi32, #tpu.memory_space<hbm>>
      tpu.enqueue_dma source(%dma_start3A_165 : memref<40x128xi32, #tpu.memory_space<hbm>>) target(%arg10 : memref<40x128xi32, #tpu.memory_space<vmem>>) target_semaphore(%run_scoped3A : memref<!tpu.dma_semaphore, #tpu.memory_space<semaphore_mem>>)
      %dma_wait3A_166 = arith.constant 0 : i32
      %dma_wait3A_167 = tpu.memref_slice %arg4[%mul3A_4, %dma_wait3A_166] : memref<1280x128xi32, #tpu.memory_space<hbm>> -> memref<40x128xi32, #tpu.memory_space<hbm>>
      %dma_wait3A_168 = arith.constant 0 : i32
      %dma_wait3A_169 = tpu.memref_slice %arg4[%mul3A_4, %dma_wait3A_168] : memref<1280x128xi32, #tpu.memory_space<hbm>> -> memref<40x128xi32, #tpu.memory_space<hbm>>
      tpu.wait_dma2 semaphore(%run_scoped3A : memref<!tpu.dma_semaphore, #tpu.memory_space<semaphore_mem>>) src(%dma_wait3A_169 : memref<40x128xi32, #tpu.memory_space<hbm>>) dst(%arg10 : memref<40x128xi32, #tpu.memory_space<vmem>>)
      tpu.yield
    }) : () -> ()
    %mul3A_5 = arith.constant 40 : i32
    %mul3A_6 = arith.muli %add3A, %mul3A_5 : i32
    "tpu.region"() ({
      %run_scoped3A = tpu.sem_alloc : memref<!tpu.dma_semaphore, #tpu.memory_space<semaphore_mem>>
      %dma_start3A_162 = arith.constant 0 : i32
      %dma_start3A_163 = tpu.memref_slice %arg5[%mul3A_6, %dma_start3A_162] : memref<1280x128xi32, #tpu.memory_space<hbm>> -> memref<40x128xi32, #tpu.memory_space<hbm>>
      %dma_start3A_164 = arith.constant 0 : i32
      %dma_start3A_165 = tpu.memref_slice %arg5[%mul3A_6, %dma_start3A_164] : memref<1280x128xi32, #tpu.memory_space<hbm>> -> memref<40x128xi32, #tpu.memory_space<hbm>>
      tpu.enqueue_dma source(%dma_start3A_165 : memref<40x128xi32, #tpu.memory_space<hbm>>) target(%arg11 : memref<40x128xi32, #tpu.memory_space<vmem>>) target_semaphore(%run_scoped3A : memref<!tpu.dma_semaphore, #tpu.memory_space<semaphore_mem>>)
      %dma_wait3A_166 = arith.constant 0 : i32
      %dma_wait3A_167 = tpu.memref_slice %arg5[%mul3A_6, %dma_wait3A_166] : memref<1280x128xi32, #tpu.memory_space<hbm>> -> memref<40x128xi32, #tpu.memory_space<hbm>>
      %dma_wait3A_168 = arith.constant 0 : i32
      %dma_wait3A_169 = tpu.memref_slice %arg5[%mul3A_6, %dma_wait3A_168] : memref<1280x128xi32, #tpu.memory_space<hbm>> -> memref<40x128xi32, #tpu.memory_space<hbm>>
      tpu.wait_dma2 semaphore(%run_scoped3A : memref<!tpu.dma_semaphore, #tpu.memory_space<semaphore_mem>>) src(%dma_wait3A_169 : memref<40x128xi32, #tpu.memory_space<hbm>>) dst(%arg11 : memref<40x128xi32, #tpu.memory_space<vmem>>)
      tpu.yield
    }) : () -> ()
    "tpu.region"() ({
      %run_scoped3A = tpu.sem_alloc : memref<!tpu.dma_semaphore, #tpu.memory_space<semaphore_mem>>
      tpu.enqueue_dma source(%arg6 : memref<12x16xi32, #tpu.memory_space<hbm>>) target(%arg15 : memref<12x16xi32, #tpu.memory_space<vmem>>) target_semaphore(%run_scoped3A : memref<!tpu.dma_semaphore, #tpu.memory_space<semaphore_mem>>)
      tpu.wait_dma2 semaphore(%run_scoped3A : memref<!tpu.dma_semaphore, #tpu.memory_space<semaphore_mem>>) src(%arg6 : memref<12x16xi32, #tpu.memory_space<hbm>>) dst(%arg15 : memref<12x16xi32, #tpu.memory_space<vmem>>)
      tpu.yield
    }) : () -> ()
    %get3A = arith.constant 0 : i32
    %get3A_7 = arith.index_cast %get3A : i32 to index
    %get3A_8 = arith.constant 0 : index
    %get3A_9 = tpu.vector_load %arg15[%get3A_7, %get3A_8] {strides = array<i32>} : memref<12x16xi32, #tpu.memory_space<vmem>>, vector<1x16xi32>,
    %get3A_10 = vector.shape_cast %get3A_9 : vector<1x16xi32> to vector<16xi32>
    %get3A_11 = arith.constant 1 : i32
    %get3A_12 = arith.index_cast %get3A_11 : i32 to index
    %get3A_13 = arith.constant 0 : index
    %get3A_14 = tpu.vector_load %arg15[%get3A_12, %get3A_13] {strides = array<i32>} : memref<12x16xi32, #tpu.memory_space<vmem>>, vector<1x16xi32>,
    %get3A_15 = vector.shape_cast %get3A_14 : vector<1x16xi32> to vector<16xi32>
    %get3A_16 = arith.constant 2 : i32
    %get3A_17 = arith.index_cast %get3A_16 : i32 to index
    %get3A_18 = arith.constant 0 : index
    %get3A_19 = tpu.vector_load %arg15[%get3A_17, %get3A_18] {strides = array<i32>} : memref<12x16xi32, #tpu.memory_space<vmem>>, vector<1x16xi32>,
    %get3A_20 = vector.shape_cast %get3A_19 : vector<1x16xi32> to vector<16xi32>
    %get3A_21 = arith.constant 3 : i32
    %get3A_22 = arith.index_cast %get3A_21 : i32 to index
    %get3A_23 = arith.constant 0 : index
    %get3A_24 = tpu.vector_load %arg15[%get3A_22, %get3A_23] {strides = array<i32>} : memref<12x16xi32, #tpu.memory_space<vmem>>, vector<1x16xi32>,
    %get3A_25 = vector.shape_cast %get3A_24 : vector<1x16xi32> to vector<16xi32>
    %get3A_26 = arith.constant 4 : i32
    %get3A_27 = arith.index_cast %get3A_26 : i32 to index
    %get3A_28 = arith.constant 0 : index
    %get3A_29 = tpu.vector_load %arg15[%get3A_27, %get3A_28] {strides = array<i32>} : memref<12x16xi32, #tpu.memory_space<vmem>>, vector<1x16xi32>,
    %get3A_30 = vector.shape_cast %get3A_29 : vector<1x16xi32> to vector<16xi32>
    %get3A_31 = arith.constant 5 : i32
    %get3A_32 = arith.index_cast %get3A_31 : i32 to index
    %get3A_33 = arith.constant 0 : index
    %get3A_34 = tpu.vector_load %arg15[%get3A_32, %get3A_33] {strides = array<i32>} : memref<12x16xi32, #tpu.memory_space<vmem>>, vector<1x16xi32>,
    %get3A_35 = vector.shape_cast %get3A_34 : vector<1x16xi32> to vector<16xi32>
    %get3A_36 = arith.constant 6 : i32
    %get3A_37 = arith.index_cast %get3A_36 : i32 to index
    %get3A_38 = arith.constant 0 : index
    %get3A_39 = tpu.vector_load %arg15[%get3A_37, %get3A_38] {strides = array<i32>} : memref<12x16xi32, #tpu.memory_space<vmem>>, vector<1x16xi32>,
    %get3A_40 = vector.shape_cast %get3A_39 : vector<1x16xi32> to vector<16xi32>
    %get3A_41 = arith.constant 7 : i32
    %get3A_42 = arith.index_cast %get3A_41 : i32 to index
    %get3A_43 = arith.constant 0 : index
    %get3A_44 = tpu.vector_load %arg15[%get3A_42, %get3A_43] {strides = array<i32>} : memref<12x16xi32, #tpu.memory_space<vmem>>, vector<1x16xi32>,
    %get3A_45 = vector.shape_cast %get3A_44 : vector<1x16xi32> to vector<16xi32>
    %get3A_46 = arith.constant 8 : i32
    %get3A_47 = arith.index_cast %get3A_46 : i32 to index
    %get3A_48 = arith.constant 0 : index
    %get3A_49 = tpu.vector_load %arg15[%get3A_47, %get3A_48] {strides = array<i32>} : memref<12x16xi32, #tpu.memory_space<vmem>>, vector<1x16xi32>,
    %get3A_50 = vector.shape_cast %get3A_49 : vector<1x16xi32> to vector<16xi32>
    %get3A_51 = arith.constant 9 : i32
    %get3A_52 = arith.index_cast %get3A_51 : i32 to index
    %get3A_53 = arith.constant 0 : index
    %get3A_54 = tpu.vector_load %arg15[%get3A_52, %get3A_53] {strides = array<i32>} : memref<12x16xi32, #tpu.memory_space<vmem>>, vector<1x16xi32>,
    %get3A_55 = vector.shape_cast %get3A_54 : vector<1x16xi32> to vector<16xi32>
    %get3A_56 = arith.constant 10 : i32
    %get3A_57 = arith.index_cast %get3A_56 : i32 to index
    %get3A_58 = arith.constant 0 : index
    %get3A_59 = tpu.vector_load %arg15[%get3A_57, %get3A_58] {strides = array<i32>} : memref<12x16xi32, #tpu.memory_space<vmem>>, vector<1x16xi32>,
    %get3A_60 = vector.shape_cast %get3A_59 : vector<1x16xi32> to vector<16xi32>
    %get3A_61 = arith.constant 11 : i32
    %get3A_62 = arith.index_cast %get3A_61 : i32 to index
    %get3A_63 = arith.constant 0 : index
    %get3A_64 = tpu.vector_load %arg15[%get3A_62, %get3A_63] {strides = array<i32>} : memref<12x16xi32, #tpu.memory_space<vmem>>, vector<1x16xi32>,
    %get3A_65 = vector.shape_cast %get3A_64 : vector<1x16xi32> to vector<16xi32>
    %barrier3A = arith.constant 0 : index
    tpu.barrier barrier_id(%barrier3A)
    %dma_start3A = arith.constant 0 : i32
    %dma_start3A_66 = arith.constant 0 : i32
    %dma_start3A_67 = arith.constant 0 : i32
    %dma_start3A_68 = arith.constant 0 : i32
    %dma_start3A_69 = tpu.memref_slice %arg12[%dma_start3A_66, %dma_start3A_67, %dma_start3A_68] : memref<2x128x24xf32, #tpu.memory_space<vmem>> -> memref<1x128x24xf32, #tpu.memory_space<vmem>>
    %dma_start3A_70 = tpu.memref_squeeze %dma_start3A_69 : memref<1x128x24xf32, #tpu.memory_space<vmem>> -> memref<128x24xf32, #tpu.memory_space<vmem>>
    %dma_start3A_71 = arith.constant 0 : i32
    %dma_start3A_72 = arith.constant 0 : i32
    %dma_start3A_73 = tpu.memref_slice %dma_start3A_70[%dma_start3A_71, %dma_start3A_72] : memref<128x24xf32, #tpu.memory_space<vmem>> -> memref<64x24xf32, #tpu.memory_space<vmem>>
    %dma_start3A_74 = arith.constant 0 : i32
    %dma_start3A_75 = tpu.memref_slice %arg10[%dma_start3A, %dma_start3A_74] : memref<40x128xi32, #tpu.memory_space<vmem>> -> memref<1x128xi32, #tpu.memory_space<vmem>>
    %dma_start3A_76 = tpu.memref_squeeze %dma_start3A_75 : memref<1x128xi32, #tpu.memory_space<vmem>> -> memref<128xi32, #tpu.memory_space<vmem>>
    %dma_start3A_77 = arith.constant 0 : i32
    %dma_start3A_78 = tpu.memref_slice %dma_start3A_76[%dma_start3A_77] : memref<128xi32, #tpu.memory_space<vmem>> -> memref<64xi32, #tpu.memory_space<vmem>>
    %dma_start3A_79 = arith.constant 0 : i32
    %dma_start3A_80 = arith.constant 0 : i32
    %dma_start3A_81 = tpu.memref_slice %arg2[%dma_start3A_79, %dma_start3A_80] : memref<10112x24xf32, #tpu.memory_space<hbm>> -> memref<10112x24xf32, #tpu.memory_space<hbm>>
    tpu.enqueue_indirect_dma source(%dma_start3A_81 : memref<10112x24xf32, #tpu.memory_space<hbm>>) target(%dma_start3A_73 : memref<64x24xf32, #tpu.memory_space<vmem>>) offsets(%dma_start3A_78 : memref<64xi32, #tpu.memory_space<vmem>>) semaphore(%arg16 : memref<!tpu.dma_semaphore, #tpu.memory_space<semaphore_mem>>)
    %dma_start3A_82 = arith.constant 0 : i32
    %dma_start3A_83 = arith.constant 0 : i32
    %dma_start3A_84 = arith.constant 0 : i32
    %dma_start3A_85 = arith.constant 0 : i32
    %dma_start3A_86 = tpu.memref_slice %arg13[%dma_start3A_83, %dma_start3A_84, %dma_start3A_85] : memref<2x128x16xf32, #tpu.memory_space<vmem>> -> memref<1x128x16xf32, #tpu.memory_space<vmem>>
    %dma_start3A_87 = tpu.memref_squeeze %dma_start3A_86 : memref<1x128x16xf32, #tpu.memory_space<vmem>> -> memref<128x16xf32, #tpu.memory_space<vmem>>
    %dma_start3A_88 = arith.constant 0 : i32
    %dma_start3A_89 = arith.constant 0 : i32
    %dma_start3A_90 = tpu.memref_slice %dma_start3A_87[%dma_start3A_88, %dma_start3A_89] : memref<128x16xf32, #tpu.memory_space<vmem>> -> memref<64x16xf32, #tpu.memory_space<vmem>>
    %dma_start3A_91 = arith.constant 0 : i32
    %dma_start3A_92 = tpu.memref_slice %arg11[%dma_start3A_82, %dma_start3A_91] : memref<40x128xi32, #tpu.memory_space<vmem>> -> memref<1x128xi32, #tpu.memory_space<vmem>>
    %dma_start3A_93 = tpu.memref_squeeze %dma_start3A_92 : memref<1x128xi32, #tpu.memory_space<vmem>> -> memref<128xi32, #tpu.memory_space<vmem>>
    %dma_start3A_94 = arith.constant 0 : i32
    %dma_start3A_95 = tpu.memref_slice %dma_start3A_93[%dma_start3A_94] : memref<128xi32, #tpu.memory_space<vmem>> -> memref<64xi32, #tpu.memory_space<vmem>>
    %dma_start3A_96 = arith.constant 0 : i32
    %dma_start3A_97 = arith.constant 0 : i32
    %dma_start3A_98 = tpu.memref_slice %arg3[%dma_start3A_96, %dma_start3A_97] : memref<10112x16xf32, #tpu.memory_space<hbm>> -> memref<10112x16xf32, #tpu.memory_space<hbm>>
    tpu.enqueue_indirect_dma source(%dma_start3A_98 : memref<10112x16xf32, #tpu.memory_space<hbm>>) target(%dma_start3A_90 : memref<64x16xf32, #tpu.memory_space<vmem>>) offsets(%dma_start3A_95 : memref<64xi32, #tpu.memory_space<vmem>>) semaphore(%arg18 : memref<!tpu.dma_semaphore, #tpu.memory_space<semaphore_mem>>)
    %dma_start3A_99 = arith.constant 0 : i32
    %dma_start3A_100 = arith.constant 0 : i32
    %dma_start3A_101 = arith.constant 0 : i32
    %dma_start3A_102 = arith.constant 0 : i32
    %dma_start3A_103 = tpu.memref_slice %arg12[%dma_start3A_100, %dma_start3A_101, %dma_start3A_102] : memref<2x128x24xf32, #tpu.memory_space<vmem>> -> memref<1x128x24xf32, #tpu.memory_space<vmem>>
    %dma_start3A_104 = tpu.memref_squeeze %dma_start3A_103 : memref<1x128x24xf32, #tpu.memory_space<vmem>> -> memref<128x24xf32, #tpu.memory_space<vmem>>
    %dma_start3A_105 = arith.constant 64 : i32
    %dma_start3A_106 = arith.constant 0 : i32
    %dma_start3A_107 = tpu.memref_slice %dma_start3A_104[%dma_start3A_105, %dma_start3A_106] : memref<128x24xf32, #tpu.memory_space<vmem>> -> memref<64x24xf32, #tpu.memory_space<vmem>>
    %dma_start3A_108 = arith.constant 0 : i32
    %dma_start3A_109 = tpu.memref_slice %arg10[%dma_start3A_99, %dma_start3A_108] : memref<40x128xi32, #tpu.memory_space<vmem>> -> memref<1x128xi32, #tpu.memory_space<vmem>>
    %dma_start3A_110 = tpu.memref_squeeze %dma_start3A_109 : memref<1x128xi32, #tpu.memory_space<vmem>> -> memref<128xi32, #tpu.memory_space<vmem>>
    %dma_start3A_111 = arith.constant 64 : i32
    %dma_start3A_112 = tpu.memref_slice %dma_start3A_110[%dma_start3A_111] : memref<128xi32, #tpu.memory_space<vmem>> -> memref<64xi32, #tpu.memory_space<vmem>>
    %dma_start3A_113 = arith.constant 0 : i32
    %dma_start3A_114 = arith.constant 0 : i32
    %dma_start3A_115 = tpu.memref_slice %arg2[%dma_start3A_113, %dma_start3A_114] : memref<10112x24xf32, #tpu.memory_space<hbm>> -> memref<10112x24xf32, #tpu.memory_space<hbm>>
    tpu.enqueue_indirect_dma source(%dma_start3A_115 : memref<10112x24xf32, #tpu.memory_space<hbm>>) target(%dma_start3A_107 : memref<64x24xf32, #tpu.memory_space<vmem>>) offsets(%dma_start3A_112 : memref<64xi32, #tpu.memory_space<vmem>>) semaphore(%arg16 : memref<!tpu.dma_semaphore, #tpu.memory_space<semaphore_mem>>)
    %dma_start3A_116 = arith.constant 0 : i32
    %dma_start3A_117 = arith.constant 0 : i32
    %dma_start3A_118 = arith.constant 0 : i32
    %dma_start3A_119 = arith.constant 0 : i32
    %dma_start3A_120 = tpu.memref_slice %arg13[%dma_start3A_117, %dma_start3A_118, %dma_start3A_119] : memref<2x128x16xf32, #tpu.memory_space<vmem>> -> memref<1x128x16xf32, #tpu.memory_space<vmem>>
    %dma_start3A_121 = tpu.memref_squeeze %dma_start3A_120 : memref<1x128x16xf32, #tpu.memory_space<vmem>> -> memref<128x16xf32, #tpu.memory_space<vmem>>
    %dma_start3A_122 = arith.constant 64 : i32
    %dma_start3A_123 = arith.constant 0 : i32
    %dma_start3A_124 = tpu.memref_slice %dma_start3A_121[%dma_start3A_122, %dma_start3A_123] : memref<128x16xf32, #tpu.memory_space<vmem>> -> memref<64x16xf32, #tpu.memory_space<vmem>>
    %dma_start3A_125 = arith.constant 0 : i32
    %dma_start3A_126 = tpu.memref_slice %arg11[%dma_start3A_116, %dma_start3A_125] : memref<40x128xi32, #tpu.memory_space<vmem>> -> memref<1x128xi32, #tpu.memory_space<vmem>>
    %dma_start3A_127 = tpu.memref_squeeze %dma_start3A_126 : memref<1x128xi32, #tpu.memory_space<vmem>> -> memref<128xi32, #tpu.memory_space<vmem>>
    %dma_start3A_128 = arith.constant 64 : i32
    %dma_start3A_129 = tpu.memref_slice %dma_start3A_127[%dma_start3A_128] : memref<128xi32, #tpu.memory_space<vmem>> -> memref<64xi32, #tpu.memory_space<vmem>>
    %dma_start3A_130 = arith.constant 0 : i32
    %dma_start3A_131 = arith.constant 0 : i32
    %dma_start3A_132 = tpu.memref_slice %arg3[%dma_start3A_130, %dma_start3A_131] : memref<10112x16xf32, #tpu.memory_space<hbm>> -> memref<10112x16xf32, #tpu.memory_space<hbm>>
    tpu.enqueue_indirect_dma source(%dma_start3A_132 : memref<10112x16xf32, #tpu.memory_space<hbm>>) target(%dma_start3A_124 : memref<64x16xf32, #tpu.memory_space<vmem>>) offsets(%dma_start3A_129 : memref<64xi32, #tpu.memory_space<vmem>>) semaphore(%arg18 : memref<!tpu.dma_semaphore, #tpu.memory_space<semaphore_mem>>)
    %scan3A = arith.constant 0 : i32
    %scan3A_133 = arith.constant 20 : i32
    %scan3A_134 = arith.addi %scan3A, %scan3A_133 : i32
    %scan3A_135 = arith.constant 1 : i32
    %scan3A_136:12 = scf.for %scan3A_162 = %scan3A to %scan3A_134 step %scan3A_135 iter_args(%scan3A_163 = %get3A_10, %scan3A_164 = %get3A_15, %scan3A_165 = %get3A_20, %scan3A_166 = %get3A_25, %scan3A_167 = %get3A_30, %scan3A_168 = %get3A_35, %scan3A_169 = %get3A_40, %scan3A_170 = %get3A_45, %scan3A_171 = %get3A_50, %scan3A_172 = %get3A_55, %scan3A_173 = %get3A_60, %scan3A_174 = %get3A_65) -> (vector<16xi32>, vector<16xi32>, vector<16xi32>, vector<16xi32>, vector<16xi32>, vector<16xi32>, vector<16xi32>, vector<16xi32>, vector<16xi32>, vector<16xi32>, vector<16xi32>, vector<16xi32>)  : i32 {
      %mul3A_175 = arith.constant 2 : i32
      %mul3A_176 = arith.muli %mul3A_175, %scan3A_162 : i32
      %add3A_177 = arith.constant 0 : i32
      %add3A_178 = arith.addi %mul3A_176, %add3A_177 : i32
      %dma_wait3A_179 = arith.constant 0 : i32
      %dma_wait3A_180 = arith.constant 0 : i32
      %dma_wait3A_181 = arith.constant 0 : i32
      %dma_wait3A_182 = tpu.memref_slice %arg12[%dma_wait3A_179, %dma_wait3A_180, %dma_wait3A_181] : memref<2x128x24xf32, #tpu.memory_space<vmem>> -> memref<1x128x24xf32, #tpu.memory_space<vmem>>
      %dma_wait3A_183 = tpu.memref_squeeze %dma_wait3A_182 : memref<1x128x24xf32, #tpu.memory_space<vmem>> -> memref<128x24xf32, #tpu.memory_space<vmem>>
      %dma_wait3A_184 = arith.constant 0 : i32
      %dma_wait3A_185 = arith.constant 0 : i32
      %dma_wait3A_186 = tpu.memref_slice %dma_wait3A_183[%dma_wait3A_184, %dma_wait3A_185] : memref<128x24xf32, #tpu.memory_space<vmem>> -> memref<64x24xf32, #tpu.memory_space<vmem>>
      %dma_wait3A_187 = arith.constant 0 : i32
      %dma_wait3A_188 = tpu.memref_slice %arg10[%add3A_178, %dma_wait3A_187] : memref<40x128xi32, #tpu.memory_space<vmem>> -> memref<1x128xi32, #tpu.memory_space<vmem>>
      %dma_wait3A_189 = tpu.memref_squeeze %dma_wait3A_188 : memref<1x128xi32, #tpu.memory_space<vmem>> -> memref<128xi32, #tpu.memory_space<vmem>>
      %dma_wait3A_190 = arith.constant 0 : i32
      %dma_wait3A_191 = tpu.memref_slice %dma_wait3A_189[%dma_wait3A_190] : memref<128xi32, #tpu.memory_space<vmem>> -> memref<64xi32, #tpu.memory_space<vmem>>
      %dma_wait3A_192 = arith.constant 0 : i32
      %dma_wait3A_193 = arith.constant 0 : i32
      %dma_wait3A_194 = tpu.memref_slice %arg2[%dma_wait3A_192, %dma_wait3A_193] : memref<10112x24xf32, #tpu.memory_space<hbm>> -> memref<10112x24xf32, #tpu.memory_space<hbm>>
      tpu.wait_indirect_dma semaphore(%arg16 : memref<!tpu.dma_semaphore, #tpu.memory_space<semaphore_mem>>) src(%dma_wait3A_194 : memref<10112x24xf32, #tpu.memory_space<hbm>>) dst(%dma_wait3A_186 : memref<64x24xf32, #tpu.memory_space<vmem>>)
      %dma_wait3A_195 = arith.constant 0 : i32
      %dma_wait3A_196 = arith.constant 0 : i32
      %dma_wait3A_197 = arith.constant 0 : i32
      %dma_wait3A_198 = tpu.memref_slice %arg13[%dma_wait3A_195, %dma_wait3A_196, %dma_wait3A_197] : memref<2x128x16xf32, #tpu.memory_space<vmem>> -> memref<1x128x16xf32, #tpu.memory_space<vmem>>
      %dma_wait3A_199 = tpu.memref_squeeze %dma_wait3A_198 : memref<1x128x16xf32, #tpu.memory_space<vmem>> -> memref<128x16xf32, #tpu.memory_space<vmem>>
      %dma_wait3A_200 = arith.constant 0 : i32
      %dma_wait3A_201 = arith.constant 0 : i32
      %dma_wait3A_202 = tpu.memref_slice %dma_wait3A_199[%dma_wait3A_200, %dma_wait3A_201] : memref<128x16xf32, #tpu.memory_space<vmem>> -> memref<64x16xf32, #tpu.memory_space<vmem>>
      %dma_wait3A_203 = arith.constant 0 : i32
      %dma_wait3A_204 = tpu.memref_slice %arg11[%add3A_178, %dma_wait3A_203] : memref<40x128xi32, #tpu.memory_space<vmem>> -> memref<1x128xi32, #tpu.memory_space<vmem>>
      %dma_wait3A_205 = tpu.memref_squeeze %dma_wait3A_204 : memref<1x128xi32, #tpu.memory_space<vmem>> -> memref<128xi32, #tpu.memory_space<vmem>>
      %dma_wait3A_206 = arith.constant 0 : i32
      %dma_wait3A_207 = tpu.memref_slice %dma_wait3A_205[%dma_wait3A_206] : memref<128xi32, #tpu.memory_space<vmem>> -> memref<64xi32, #tpu.memory_space<vmem>>
      %dma_wait3A_208 = arith.constant 0 : i32
      %dma_wait3A_209 = arith.constant 0 : i32
      %dma_wait3A_210 = tpu.memref_slice %arg3[%dma_wait3A_208, %dma_wait3A_209] : memref<10112x16xf32, #tpu.memory_space<hbm>> -> memref<10112x16xf32, #tpu.memory_space<hbm>>
      tpu.wait_indirect_dma semaphore(%arg18 : memref<!tpu.dma_semaphore, #tpu.memory_space<semaphore_mem>>) src(%dma_wait3A_210 : memref<10112x16xf32, #tpu.memory_space<hbm>>) dst(%dma_wait3A_202 : memref<64x16xf32, #tpu.memory_space<vmem>>)
      %dma_wait3A_211 = arith.constant 0 : i32
      %dma_wait3A_212 = arith.constant 0 : i32
      %dma_wait3A_213 = arith.constant 0 : i32
      %dma_wait3A_214 = tpu.memref_slice %arg12[%dma_wait3A_211, %dma_wait3A_212, %dma_wait3A_213] : memref<2x128x24xf32, #tpu.memory_space<vmem>> -> memref<1x128x24xf32, #tpu.memory_space<vmem>>
      %dma_wait3A_215 = tpu.memref_squeeze %dma_wait3A_214 : memref<1x128x24xf32, #tpu.memory_space<vmem>> -> memref<128x24xf32, #tpu.memory_space<vmem>>
      %dma_wait3A_216 = arith.constant 64 : i32
      %dma_wait3A_217 = arith.constant 0 : i32
      %dma_wait3A_218 = tpu.memref_slice %dma_wait3A_215[%dma_wait3A_216, %dma_wait3A_217] : memref<128x24xf32, #tpu.memory_space<vmem>> -> memref<64x24xf32, #tpu.memory_space<vmem>>
      %dma_wait3A_219 = arith.constant 0 : i32
      %dma_wait3A_220 = tpu.memref_slice %arg10[%add3A_178, %dma_wait3A_219] : memref<40x128xi32, #tpu.memory_space<vmem>> -> memref<1x128xi32, #tpu.memory_space<vmem>>
      %dma_wait3A_221 = tpu.memref_squeeze %dma_wait3A_220 : memref<1x128xi32, #tpu.memory_space<vmem>> -> memref<128xi32, #tpu.memory_space<vmem>>
      %dma_wait3A_222 = arith.constant 64 : i32
      %dma_wait3A_223 = tpu.memref_slice %dma_wait3A_221[%dma_wait3A_222] : memref<128xi32, #tpu.memory_space<vmem>> -> memref<64xi32, #tpu.memory_space<vmem>>
      %dma_wait3A_224 = arith.constant 0 : i32
      %dma_wait3A_225 = arith.constant 0 : i32
      %dma_wait3A_226 = tpu.memref_slice %arg2[%dma_wait3A_224, %dma_wait3A_225] : memref<10112x24xf32, #tpu.memory_space<hbm>> -> memref<10112x24xf32, #tpu.memory_space<hbm>>
      tpu.wait_indirect_dma semaphore(%arg16 : memref<!tpu.dma_semaphore, #tpu.memory_space<semaphore_mem>>) src(%dma_wait3A_226 : memref<10112x24xf32, #tpu.memory_space<hbm>>) dst(%dma_wait3A_218 : memref<64x24xf32, #tpu.memory_space<vmem>>)
      %dma_wait3A_227 = arith.constant 0 : i32
      %dma_wait3A_228 = arith.constant 0 : i32
      %dma_wait3A_229 = arith.constant 0 : i32
      %dma_wait3A_230 = tpu.memref_slice %arg13[%dma_wait3A_227, %dma_wait3A_228, %dma_wait3A_229] : memref<2x128x16xf32, #tpu.memory_space<vmem>> -> memref<1x128x16xf32, #tpu.memory_space<vmem>>
      %dma_wait3A_231 = tpu.memref_squeeze %dma_wait3A_230 : memref<1x128x16xf32, #tpu.memory_space<vmem>> -> memref<128x16xf32, #tpu.memory_space<vmem>>
      %dma_wait3A_232 = arith.constant 64 : i32
      %dma_wait3A_233 = arith.constant 0 : i32
      %dma_wait3A_234 = tpu.memref_slice %dma_wait3A_231[%dma_wait3A_232, %dma_wait3A_233] : memref<128x16xf32, #tpu.memory_space<vmem>> -> memref<64x16xf32, #tpu.memory_space<vmem>>
      %dma_wait3A_235 = arith.constant 0 : i32
      %dma_wait3A_236 = tpu.memref_slice %arg11[%add3A_178, %dma_wait3A_235] : memref<40x128xi32, #tpu.memory_space<vmem>> -> memref<1x128xi32, #tpu.memory_space<vmem>>
      %dma_wait3A_237 = tpu.memref_squeeze %dma_wait3A_236 : memref<1x128xi32, #tpu.memory_space<vmem>> -> memref<128xi32, #tpu.memory_space<vmem>>
      %dma_wait3A_238 = arith.constant 64 : i32
      %dma_wait3A_239 = tpu.memref_slice %dma_wait3A_237[%dma_wait3A_238] : memref<128xi32, #tpu.memory_space<vmem>> -> memref<64xi32, #tpu.memory_space<vmem>>
      %dma_wait3A_240 = arith.constant 0 : i32
      %dma_wait3A_241 = arith.constant 0 : i32
      %dma_wait3A_242 = tpu.memref_slice %arg3[%dma_wait3A_240, %dma_wait3A_241] : memref<10112x16xf32, #tpu.memory_space<hbm>> -> memref<10112x16xf32, #tpu.memory_space<hbm>>
      tpu.wait_indirect_dma semaphore(%arg18 : memref<!tpu.dma_semaphore, #tpu.memory_space<semaphore_mem>>) src(%dma_wait3A_242 : memref<10112x16xf32, #tpu.memory_space<hbm>>) dst(%dma_wait3A_234 : memref<64x16xf32, #tpu.memory_space<vmem>>)
      %add3A_243 = arith.constant 1 : i32
      %add3A_244 = arith.addi %add3A_178, %add3A_243 : i32
      %lt3A = arith.constant 40 : i32
      %lt3A_245 = arith.cmpi slt, %add3A_244, %lt3A : i32
      %convert_element_type3A = arith.extui %lt3A_245 : i1 to i32
      %cond3A = arith.constant 0 : i32
      %cond3A_246 = arith.cmpi ne, %convert_element_type3A, %cond3A : i32
      scf.if %cond3A_246 {
        %add3A_360 = arith.constant 1 : i32
        %add3A_361 = arith.addi %add3A_178, %add3A_360 : i32
        %dma_start3A_362 = arith.constant 1 : i32
        %dma_start3A_363 = arith.constant 0 : i32
        %dma_start3A_364 = arith.constant 0 : i32
        %dma_start3A_365 = tpu.memref_slice %arg12[%dma_start3A_362, %dma_start3A_363, %dma_start3A_364] : memref<2x128x24xf32, #tpu.memory_space<vmem>> -> memref<1x128x24xf32, #tpu.memory_space<vmem>>
        %dma_start3A_366 = tpu.memref_squeeze %dma_start3A_365 : memref<1x128x24xf32, #tpu.memory_space<vmem>> -> memref<128x24xf32, #tpu.memory_space<vmem>>
        %dma_start3A_367 = arith.constant 0 : i32
        %dma_start3A_368 = arith.constant 0 : i32
        %dma_start3A_369 = tpu.memref_slice %dma_start3A_366[%dma_start3A_367, %dma_start3A_368] : memref<128x24xf32, #tpu.memory_space<vmem>> -> memref<64x24xf32, #tpu.memory_space<vmem>>
        %dma_start3A_370 = arith.constant 0 : i32
        %dma_start3A_371 = tpu.memref_slice %arg10[%add3A_361, %dma_start3A_370] : memref<40x128xi32, #tpu.memory_space<vmem>> -> memref<1x128xi32, #tpu.memory_space<vmem>>
        %dma_start3A_372 = tpu.memref_squeeze %dma_start3A_371 : memref<1x128xi32, #tpu.memory_space<vmem>> -> memref<128xi32, #tpu.memory_space<vmem>>
        %dma_start3A_373 = arith.constant 0 : i32
        %dma_start3A_374 = tpu.memref_slice %dma_start3A_372[%dma_start3A_373] : memref<128xi32, #tpu.memory_space<vmem>> -> memref<64xi32, #tpu.memory_space<vmem>>
        %dma_start3A_375 = arith.constant 0 : i32
        %dma_start3A_376 = arith.constant 0 : i32
        %dma_start3A_377 = tpu.memref_slice %arg2[%dma_start3A_375, %dma_start3A_376] : memref<10112x24xf32, #tpu.memory_space<hbm>> -> memref<10112x24xf32, #tpu.memory_space<hbm>>
        tpu.enqueue_indirect_dma source(%dma_start3A_377 : memref<10112x24xf32, #tpu.memory_space<hbm>>) target(%dma_start3A_369 : memref<64x24xf32, #tpu.memory_space<vmem>>) offsets(%dma_start3A_374 : memref<64xi32, #tpu.memory_space<vmem>>) semaphore(%arg17 : memref<!tpu.dma_semaphore, #tpu.memory_space<semaphore_mem>>)
        %dma_start3A_378 = arith.constant 1 : i32
        %dma_start3A_379 = arith.constant 0 : i32
        %dma_start3A_380 = arith.constant 0 : i32
        %dma_start3A_381 = tpu.memref_slice %arg13[%dma_start3A_378, %dma_start3A_379, %dma_start3A_380] : memref<2x128x16xf32, #tpu.memory_space<vmem>> -> memref<1x128x16xf32, #tpu.memory_space<vmem>>
        %dma_start3A_382 = tpu.memref_squeeze %dma_start3A_381 : memref<1x128x16xf32, #tpu.memory_space<vmem>> -> memref<128x16xf32, #tpu.memory_space<vmem>>
        %dma_start3A_383 = arith.constant 0 : i32
        %dma_start3A_384 = arith.constant 0 : i32
        %dma_start3A_385 = tpu.memref_slice %dma_start3A_382[%dma_start3A_383, %dma_start3A_384] : memref<128x16xf32, #tpu.memory_space<vmem>> -> memref<64x16xf32, #tpu.memory_space<vmem>>
        %dma_start3A_386 = arith.constant 0 : i32
        %dma_start3A_387 = tpu.memref_slice %arg11[%add3A_361, %dma_start3A_386] : memref<40x128xi32, #tpu.memory_space<vmem>> -> memref<1x128xi32, #tpu.memory_space<vmem>>
        %dma_start3A_388 = tpu.memref_squeeze %dma_start3A_387 : memref<1x128xi32, #tpu.memory_space<vmem>> -> memref<128xi32, #tpu.memory_space<vmem>>
        %dma_start3A_389 = arith.constant 0 : i32
        %dma_start3A_390 = tpu.memref_slice %dma_start3A_388[%dma_start3A_389] : memref<128xi32, #tpu.memory_space<vmem>> -> memref<64xi32, #tpu.memory_space<vmem>>
        %dma_start3A_391 = arith.constant 0 : i32
        %dma_start3A_392 = arith.constant 0 : i32
        %dma_start3A_393 = tpu.memref_slice %arg3[%dma_start3A_391, %dma_start3A_392] : memref<10112x16xf32, #tpu.memory_space<hbm>> -> memref<10112x16xf32, #tpu.memory_space<hbm>>
        tpu.enqueue_indirect_dma source(%dma_start3A_393 : memref<10112x16xf32, #tpu.memory_space<hbm>>) target(%dma_start3A_385 : memref<64x16xf32, #tpu.memory_space<vmem>>) offsets(%dma_start3A_390 : memref<64xi32, #tpu.memory_space<vmem>>) semaphore(%arg19 : memref<!tpu.dma_semaphore, #tpu.memory_space<semaphore_mem>>)
        %dma_start3A_394 = arith.constant 1 : i32
        %dma_start3A_395 = arith.constant 0 : i32
        %dma_start3A_396 = arith.constant 0 : i32
        %dma_start3A_397 = tpu.memref_slice %arg12[%dma_start3A_394, %dma_start3A_395, %dma_start3A_396] : memref<2x128x24xf32, #tpu.memory_space<vmem>> -> memref<1x128x24xf32, #tpu.memory_space<vmem>>
        %dma_start3A_398 = tpu.memref_squeeze %dma_start3A_397 : memref<1x128x24xf32, #tpu.memory_space<vmem>> -> memref<128x24xf32, #tpu.memory_space<vmem>>
        %dma_start3A_399 = arith.constant 64 : i32
        %dma_start3A_400 = arith.constant 0 : i32
        %dma_start3A_401 = tpu.memref_slice %dma_start3A_398[%dma_start3A_399, %dma_start3A_400] : memref<128x24xf32, #tpu.memory_space<vmem>> -> memref<64x24xf32, #tpu.memory_space<vmem>>
        %dma_start3A_402 = arith.constant 0 : i32
        %dma_start3A_403 = tpu.memref_slice %arg10[%add3A_361, %dma_start3A_402] : memref<40x128xi32, #tpu.memory_space<vmem>> -> memref<1x128xi32, #tpu.memory_space<vmem>>
        %dma_start3A_404 = tpu.memref_squeeze %dma_start3A_403 : memref<1x128xi32, #tpu.memory_space<vmem>> -> memref<128xi32, #tpu.memory_space<vmem>>
        %dma_start3A_405 = arith.constant 64 : i32
        %dma_start3A_406 = tpu.memref_slice %dma_start3A_404[%dma_start3A_405] : memref<128xi32, #tpu.memory_space<vmem>> -> memref<64xi32, #tpu.memory_space<vmem>>
        %dma_start3A_407 = arith.constant 0 : i32
        %dma_start3A_408 = arith.constant 0 : i32
        %dma_start3A_409 = tpu.memref_slice %arg2[%dma_start3A_407, %dma_start3A_408] : memref<10112x24xf32, #tpu.memory_space<hbm>> -> memref<10112x24xf32, #tpu.memory_space<hbm>>
        tpu.enqueue_indirect_dma source(%dma_start3A_409 : memref<10112x24xf32, #tpu.memory_space<hbm>>) target(%dma_start3A_401 : memref<64x24xf32, #tpu.memory_space<vmem>>) offsets(%dma_start3A_406 : memref<64xi32, #tpu.memory_space<vmem>>) semaphore(%arg17 : memref<!tpu.dma_semaphore, #tpu.memory_space<semaphore_mem>>)
        %dma_start3A_410 = arith.constant 1 : i32
        %dma_start3A_411 = arith.constant 0 : i32
        %dma_start3A_412 = arith.constant 0 : i32
        %dma_start3A_413 = tpu.memref_slice %arg13[%dma_start3A_410, %dma_start3A_411, %dma_start3A_412] : memref<2x128x16xf32, #tpu.memory_space<vmem>> -> memref<1x128x16xf32, #tpu.memory_space<vmem>>
        %dma_start3A_414 = tpu.memref_squeeze %dma_start3A_413 : memref<1x128x16xf32, #tpu.memory_space<vmem>> -> memref<128x16xf32, #tpu.memory_space<vmem>>
        %dma_start3A_415 = arith.constant 64 : i32
        %dma_start3A_416 = arith.constant 0 : i32
        %dma_start3A_417 = tpu.memref_slice %dma_start3A_414[%dma_start3A_415, %dma_start3A_416] : memref<128x16xf32, #tpu.memory_space<vmem>> -> memref<64x16xf32, #tpu.memory_space<vmem>>
        %dma_start3A_418 = arith.constant 0 : i32
        %dma_start3A_419 = tpu.memref_slice %arg11[%add3A_361, %dma_start3A_418] : memref<40x128xi32, #tpu.memory_space<vmem>> -> memref<1x128xi32, #tpu.memory_space<vmem>>
        %dma_start3A_420 = tpu.memref_squeeze %dma_start3A_419 : memref<1x128xi32, #tpu.memory_space<vmem>> -> memref<128xi32, #tpu.memory_space<vmem>>
        %dma_start3A_421 = arith.constant 64 : i32
        %dma_start3A_422 = tpu.memref_slice %dma_start3A_420[%dma_start3A_421] : memref<128xi32, #tpu.memory_space<vmem>> -> memref<64xi32, #tpu.memory_space<vmem>>
        %dma_start3A_423 = arith.constant 0 : i32
        %dma_start3A_424 = arith.constant 0 : i32
        %dma_start3A_425 = tpu.memref_slice %arg3[%dma_start3A_423, %dma_start3A_424] : memref<10112x16xf32, #tpu.memory_space<hbm>> -> memref<10112x16xf32, #tpu.memory_space<hbm>>
        tpu.enqueue_indirect_dma source(%dma_start3A_425 : memref<10112x16xf32, #tpu.memory_space<hbm>>) target(%dma_start3A_417 : memref<64x16xf32, #tpu.memory_space<vmem>>) offsets(%dma_start3A_422 : memref<64xi32, #tpu.memory_space<vmem>>) semaphore(%arg19 : memref<!tpu.dma_semaphore, #tpu.memory_space<semaphore_mem>>)
      } else {
      }
      %ge3A = arith.constant 2 : i32
      %ge3A_247 = arith.cmpi sge, %add3A_178, %ge3A : i32
      %convert_element_type3A_248 = arith.extui %ge3A_247 : i1 to i32
      %cond3A_249 = arith.constant 0 : i32
      %cond3A_250 = arith.cmpi ne, %convert_element_type3A_248, %cond3A_249 : i32
      scf.if %cond3A_250 {
        %dma_wait3A_360 = arith.constant 0 : i32
        %dma_wait3A_361 = arith.constant 0 : i32
        %dma_wait3A_362 = arith.constant 0 : i32
        %dma_wait3A_363 = tpu.memref_slice %arg14[%dma_wait3A_360, %dma_wait3A_361, %dma_wait3A_362] : memref<2x128x96xf32, #tpu.memory_space<vmem>> -> memref<1x128x96xf32, #tpu.memory_space<vmem>>
        %dma_wait3A_364 = tpu.memref_squeeze %dma_wait3A_363 : memref<1x128x96xf32, #tpu.memory_space<vmem>> -> memref<128x96xf32, #tpu.memory_space<vmem>>
        %dma_wait3A_365 = arith.constant 0 : i32
        %dma_wait3A_366 = tpu.memref_slice %arg11[%add3A_178, %dma_wait3A_365] : memref<40x128xi32, #tpu.memory_space<vmem>> -> memref<1x128xi32, #tpu.memory_space<vmem>>
        %dma_wait3A_367 = tpu.memref_squeeze %dma_wait3A_366 : memref<1x128xi32, #tpu.memory_space<vmem>> -> memref<128xi32, #tpu.memory_space<vmem>>
        %dma_wait3A_368 = arith.constant 0 : i32
        %dma_wait3A_369 = arith.constant 0 : i32
        %dma_wait3A_370 = tpu.memref_slice %arg9[%dma_wait3A_368, %dma_wait3A_369] : memref<10112x96xf32, #tpu.memory_space<vmem_shared>> -> memref<10112x96xf32, #tpu.memory_space<vmem_shared>>
        tpu.wait_indirect_dma semaphore(%arg20 : memref<!tpu.dma_semaphore, #tpu.memory_space<semaphore_mem>>) src(%dma_wait3A_364 : memref<128x96xf32, #tpu.memory_space<vmem>>) dst(%dma_wait3A_370 : memref<10112x96xf32, #tpu.memory_space<vmem_shared>>)
      } else {
      }
      %parallel_loop3A = arith.constant 0 : i32
      %parallel_loop3A_251 = arith.constant 128 : i32
      %parallel_loop3A_252 = arith.constant 1 : i32
      %parallel_loop3A_253:12 = scf.for %parallel_loop3A_360 = %parallel_loop3A to %parallel_loop3A_251 step %parallel_loop3A_252 iter_args(%parallel_loop3A_361 = %scan3A_163, %parallel_loop3A_362 = %scan3A_164, %parallel_loop3A_363 = %scan3A_165, %parallel_loop3A_364 = %scan3A_166, %parallel_loop3A_365 = %scan3A_167, %parallel_loop3A_366 = %scan3A_168, %parallel_loop3A_367 = %scan3A_169, %parallel_loop3A_368 = %scan3A_170, %parallel_loop3A_369 = %scan3A_171, %parallel_loop3A_370 = %scan3A_172, %parallel_loop3A_371 = %scan3A_173, %parallel_loop3A_372 = %scan3A_174) -> (vector<16xi32>, vector<16xi32>, vector<16xi32>, vector<16xi32>, vector<16xi32>, vector<16xi32>, vector<16xi32>, vector<16xi32>, vector<16xi32>, vector<16xi32>, vector<16xi32>, vector<16xi32>)  : i32 {
        %parallel_loop3A_373 = arith.constant 0 : i32
        %parallel_loop3A_374 = arith.index_cast %parallel_loop3A_373 : i32 to index
        %parallel_loop3A_375 = arith.index_cast %parallel_loop3A_360 : i32 to index
        %parallel_loop3A_376 = arith.constant 0 : index
        %parallel_loop3A_377 = tpu.vector_load %arg12[%parallel_loop3A_374, %parallel_loop3A_375, %parallel_loop3A_376] {strides = array<i32>} : memref<2x128x24xf32, #tpu.memory_space<vmem>>, vector<1x1x16xf32>,
        %parallel_loop3A_378 = vector.shape_cast %parallel_loop3A_377 : vector<1x1x16xf32> to vector<16xf32>
        %parallel_loop3A_379 = arith.constant 0 : i32
        %parallel_loop3A_380 = arith.index_cast %parallel_loop3A_379 : i32 to index
        %parallel_loop3A_381 = arith.index_cast %parallel_loop3A_360 : i32 to index
        %parallel_loop3A_382 = arith.constant 8 : index
        %parallel_loop3A_383 = tpu.vector_load %arg12[%parallel_loop3A_380, %parallel_loop3A_381, %parallel_loop3A_382] {strides = array<i32>} : memref<2x128x24xf32, #tpu.memory_space<vmem>>, vector<1x1x16xf32>,
        %parallel_loop3A_384 = vector.shape_cast %parallel_loop3A_383 : vector<1x1x16xf32> to vector<16xf32>
        %parallel_loop3A_385 = arith.constant 0 : i32
        %parallel_loop3A_386 = arith.index_cast %parallel_loop3A_385 : i32 to index
        %parallel_loop3A_387 = arith.index_cast %parallel_loop3A_360 : i32 to index
        %parallel_loop3A_388 = arith.constant 0 : index
        %parallel_loop3A_389 = tpu.vector_load %arg13[%parallel_loop3A_386, %parallel_loop3A_387, %parallel_loop3A_388] {strides = array<i32>} : memref<2x128x16xf32, #tpu.memory_space<vmem>>, vector<1x1x16xf32>,
        %parallel_loop3A_390 = vector.shape_cast %parallel_loop3A_389 : vector<1x1x16xf32> to vector<16xf32>
        %parallel_loop3A_391 = arith.addf %parallel_loop3A_378, %parallel_loop3A_390 : vector<16xf32>
        %parallel_loop3A_392 = arith.constant 2.000000e-01 : f32
        %parallel_loop3A_393 = vector.broadcast %parallel_loop3A_392 : f32 to vector<16xf32>
        %parallel_loop3A_394 = arith.mulf %parallel_loop3A_393, %parallel_loop3A_391 : vector<16xf32>
        %parallel_loop3A_395 = arith.maximumf %parallel_loop3A_391, %parallel_loop3A_394 : vector<16xf32>
        %parallel_loop3A_396 = math.exp %parallel_loop3A_395 : vector<16xf32>
        %parallel_loop3A_397 = vector.shape_cast %parallel_loop3A_361 : vector<16xi32> to vector<16x1xi32>
        %parallel_loop3A_398 = vector.shape_cast %parallel_loop3A_397 : vector<16x1xi32> to vector<16xi32>
        %parallel_loop3A_399 = tpu.dynamic_gather %parallel_loop3A_396[%parallel_loop3A_398] in [0] : vector<16xf32>, vector<16xi32> -> vector<16xf32>
        %parallel_loop3A_400 = vector.shape_cast %parallel_loop3A_367 : vector<16xi32> to vector<16x1xi32>
        %parallel_loop3A_401 = vector.shape_cast %parallel_loop3A_400 : vector<16x1xi32> to vector<16xi32>
        %parallel_loop3A_402 = tpu.dynamic_gather %parallel_loop3A_384[%parallel_loop3A_401] in [0] : vector<16xf32>, vector<16xi32> -> vector<16xf32>
        %parallel_loop3A_403 = arith.mulf %parallel_loop3A_399, %parallel_loop3A_402 : vector<16xf32>
        %parallel_loop3A_404 = arith.constant 0 : i32
        %parallel_loop3A_405 = arith.index_cast %parallel_loop3A_404 : i32 to index
        %parallel_loop3A_406 = arith.index_cast %parallel_loop3A_360 : i32 to index
        %parallel_loop3A_407 = arith.constant 0 : index
        %parallel_loop3A_408 = tpu.vector_load %arg14[%parallel_loop3A_405, %parallel_loop3A_406, %parallel_loop3A_407] {strides = array<i32>} : memref<2x128x96xf32, #tpu.memory_space<vmem>>, vector<1x1x16xf32>,
        %parallel_loop3A_409 = vector.shape_cast %parallel_loop3A_408 : vector<1x1x16xf32> to vector<16xf32>
        %parallel_loop3A_410 = vector.shape_cast %parallel_loop3A_403 : vector<16xf32> to vector<1x1x16xf32>
        tpu.vector_store %arg14[%parallel_loop3A_405, %parallel_loop3A_406, %parallel_loop3A_407], %parallel_loop3A_410 {strides = array<i32>} : memref<2x128x96xf32, #tpu.memory_space<vmem>>, vector<1x1x16xf32>,
        %parallel_loop3A_411 = vector.shape_cast %parallel_loop3A_362 : vector<16xi32> to vector<16x1xi32>
        %parallel_loop3A_412 = vector.shape_cast %parallel_loop3A_411 : vector<16x1xi32> to vector<16xi32>
        %parallel_loop3A_413 = tpu.dynamic_gather %parallel_loop3A_396[%parallel_loop3A_412] in [0] : vector<16xf32>, vector<16xi32> -> vector<16xf32>
        %parallel_loop3A_414 = vector.shape_cast %parallel_loop3A_368 : vector<16xi32> to vector<16x1xi32>
        %parallel_loop3A_415 = vector.shape_cast %parallel_loop3A_414 : vector<16x1xi32> to vector<16xi32>
        %parallel_loop3A_416 = tpu.dynamic_gather %parallel_loop3A_384[%parallel_loop3A_415] in [0] : vector<16xf32>, vector<16xi32> -> vector<16xf32>
        %parallel_loop3A_417 = arith.mulf %parallel_loop3A_413, %parallel_loop3A_416 : vector<16xf32>
        %parallel_loop3A_418 = arith.constant 0 : i32
        %parallel_loop3A_419 = arith.index_cast %parallel_loop3A_418 : i32 to index
        %parallel_loop3A_420 = arith.index_cast %parallel_loop3A_360 : i32 to index
        %parallel_loop3A_421 = arith.constant 16 : index
        %parallel_loop3A_422 = tpu.vector_load %arg14[%parallel_loop3A_419, %parallel_loop3A_420, %parallel_loop3A_421] {strides = array<i32>} : memref<2x128x96xf32, #tpu.memory_space<vmem>>, vector<1x1x16xf32>,
        %parallel_loop3A_423 = vector.shape_cast %parallel_loop3A_422 : vector<1x1x16xf32> to vector<16xf32>
        %parallel_loop3A_424 = vector.shape_cast %parallel_loop3A_417 : vector<16xf32> to vector<1x1x16xf32>
        tpu.vector_store %arg14[%parallel_loop3A_419, %parallel_loop3A_420, %parallel_loop3A_421], %parallel_loop3A_424 {strides = array<i32>} : memref<2x128x96xf32, #tpu.memory_space<vmem>>, vector<1x1x16xf32>,
        %parallel_loop3A_425 = vector.shape_cast %parallel_loop3A_363 : vector<16xi32> to vector<16x1xi32>
        %parallel_loop3A_426 = vector.shape_cast %parallel_loop3A_425 : vector<16x1xi32> to vector<16xi32>
        %parallel_loop3A_427 = tpu.dynamic_gather %parallel_loop3A_396[%parallel_loop3A_426] in [0] : vector<16xf32>, vector<16xi32> -> vector<16xf32>
        %parallel_loop3A_428 = vector.shape_cast %parallel_loop3A_369 : vector<16xi32> to vector<16x1xi32>
        %parallel_loop3A_429 = vector.shape_cast %parallel_loop3A_428 : vector<16x1xi32> to vector<16xi32>
        %parallel_loop3A_430 = tpu.dynamic_gather %parallel_loop3A_384[%parallel_loop3A_429] in [0] : vector<16xf32>, vector<16xi32> -> vector<16xf32>
        %parallel_loop3A_431 = arith.mulf %parallel_loop3A_427, %parallel_loop3A_430 : vector<16xf32>
        %parallel_loop3A_432 = arith.constant 0 : i32
        %parallel_loop3A_433 = arith.index_cast %parallel_loop3A_432 : i32 to index
        %parallel_loop3A_434 = arith.index_cast %parallel_loop3A_360 : i32 to index
        %parallel_loop3A_435 = arith.constant 32 : index
        %parallel_loop3A_436 = tpu.vector_load %arg14[%parallel_loop3A_433, %parallel_loop3A_434, %parallel_loop3A_435] {strides = array<i32>} : memref<2x128x96xf32, #tpu.memory_space<vmem>>, vector<1x1x16xf32>,
        %parallel_loop3A_437 = vector.shape_cast %parallel_loop3A_436 : vector<1x1x16xf32> to vector<16xf32>
        %parallel_loop3A_438 = vector.shape_cast %parallel_loop3A_431 : vector<16xf32> to vector<1x1x16xf32>
        tpu.vector_store %arg14[%parallel_loop3A_433, %parallel_loop3A_434, %parallel_loop3A_435], %parallel_loop3A_438 {strides = array<i32>} : memref<2x128x96xf32, #tpu.memory_space<vmem>>, vector<1x1x16xf32>,
        %parallel_loop3A_439 = vector.shape_cast %parallel_loop3A_364 : vector<16xi32> to vector<16x1xi32>
        %parallel_loop3A_440 = vector.shape_cast %parallel_loop3A_439 : vector<16x1xi32> to vector<16xi32>
        %parallel_loop3A_441 = tpu.dynamic_gather %parallel_loop3A_396[%parallel_loop3A_440] in [0] : vector<16xf32>, vector<16xi32> -> vector<16xf32>
        %parallel_loop3A_442 = vector.shape_cast %parallel_loop3A_370 : vector<16xi32> to vector<16x1xi32>
        %parallel_loop3A_443 = vector.shape_cast %parallel_loop3A_442 : vector<16x1xi32> to vector<16xi32>
        %parallel_loop3A_444 = tpu.dynamic_gather %parallel_loop3A_384[%parallel_loop3A_443] in [0] : vector<16xf32>, vector<16xi32> -> vector<16xf32>
        %parallel_loop3A_445 = arith.mulf %parallel_loop3A_441, %parallel_loop3A_444 : vector<16xf32>
        %parallel_loop3A_446 = arith.constant 0 : i32
        %parallel_loop3A_447 = arith.index_cast %parallel_loop3A_446 : i32 to index
        %parallel_loop3A_448 = arith.index_cast %parallel_loop3A_360 : i32 to index
        %parallel_loop3A_449 = arith.constant 48 : index
        %parallel_loop3A_450 = tpu.vector_load %arg14[%parallel_loop3A_447, %parallel_loop3A_448, %parallel_loop3A_449] {strides = array<i32>} : memref<2x128x96xf32, #tpu.memory_space<vmem>>, vector<1x1x16xf32>,
        %parallel_loop3A_451 = vector.shape_cast %parallel_loop3A_450 : vector<1x1x16xf32> to vector<16xf32>
        %parallel_loop3A_452 = vector.shape_cast %parallel_loop3A_445 : vector<16xf32> to vector<1x1x16xf32>
        tpu.vector_store %arg14[%parallel_loop3A_447, %parallel_loop3A_448, %parallel_loop3A_449], %parallel_loop3A_452 {strides = array<i32>} : memref<2x128x96xf32, #tpu.memory_space<vmem>>, vector<1x1x16xf32>,
        %parallel_loop3A_453 = vector.shape_cast %parallel_loop3A_365 : vector<16xi32> to vector<16x1xi32>
        %parallel_loop3A_454 = vector.shape_cast %parallel_loop3A_453 : vector<16x1xi32> to vector<16xi32>
        %parallel_loop3A_455 = tpu.dynamic_gather %parallel_loop3A_396[%parallel_loop3A_454] in [0] : vector<16xf32>, vector<16xi32> -> vector<16xf32>
        %parallel_loop3A_456 = vector.shape_cast %parallel_loop3A_371 : vector<16xi32> to vector<16x1xi32>
        %parallel_loop3A_457 = vector.shape_cast %parallel_loop3A_456 : vector<16x1xi32> to vector<16xi32>
        %parallel_loop3A_458 = tpu.dynamic_gather %parallel_loop3A_384[%parallel_loop3A_457] in [0] : vector<16xf32>, vector<16xi32> -> vector<16xf32>
        %parallel_loop3A_459 = arith.mulf %parallel_loop3A_455, %parallel_loop3A_458 : vector<16xf32>
        %parallel_loop3A_460 = arith.constant 0 : i32
        %parallel_loop3A_461 = arith.index_cast %parallel_loop3A_460 : i32 to index
        %parallel_loop3A_462 = arith.index_cast %parallel_loop3A_360 : i32 to index
        %parallel_loop3A_463 = arith.constant 64 : index
        %parallel_loop3A_464 = tpu.vector_load %arg14[%parallel_loop3A_461, %parallel_loop3A_462, %parallel_loop3A_463] {strides = array<i32>} : memref<2x128x96xf32, #tpu.memory_space<vmem>>, vector<1x1x16xf32>,
        %parallel_loop3A_465 = vector.shape_cast %parallel_loop3A_464 : vector<1x1x16xf32> to vector<16xf32>
        %parallel_loop3A_466 = vector.shape_cast %parallel_loop3A_459 : vector<16xf32> to vector<1x1x16xf32>
        tpu.vector_store %arg14[%parallel_loop3A_461, %parallel_loop3A_462, %parallel_loop3A_463], %parallel_loop3A_466 {strides = array<i32>} : memref<2x128x96xf32, #tpu.memory_space<vmem>>, vector<1x1x16xf32>,
        %parallel_loop3A_467 = vector.shape_cast %parallel_loop3A_366 : vector<16xi32> to vector<16x1xi32>
        %parallel_loop3A_468 = vector.shape_cast %parallel_loop3A_467 : vector<16x1xi32> to vector<16xi32>
        %parallel_loop3A_469 = tpu.dynamic_gather %parallel_loop3A_396[%parallel_loop3A_468] in [0] : vector<16xf32>, vector<16xi32> -> vector<16xf32>
        %parallel_loop3A_470 = vector.shape_cast %parallel_loop3A_372 : vector<16xi32> to vector<16x1xi32>
        %parallel_loop3A_471 = vector.shape_cast %parallel_loop3A_470 : vector<16x1xi32> to vector<16xi32>
        %parallel_loop3A_472 = tpu.dynamic_gather %parallel_loop3A_384[%parallel_loop3A_471] in [0] : vector<16xf32>, vector<16xi32> -> vector<16xf32>
        %parallel_loop3A_473 = arith.mulf %parallel_loop3A_469, %parallel_loop3A_472 : vector<16xf32>
        %parallel_loop3A_474 = arith.constant 0 : i32
        %parallel_loop3A_475 = arith.index_cast %parallel_loop3A_474 : i32 to index
        %parallel_loop3A_476 = arith.index_cast %parallel_loop3A_360 : i32 to index
        %parallel_loop3A_477 = arith.constant 80 : index
        %parallel_loop3A_478 = tpu.vector_load %arg14[%parallel_loop3A_475, %parallel_loop3A_476, %parallel_loop3A_477] {strides = array<i32>} : memref<2x128x96xf32, #tpu.memory_space<vmem>>, vector<1x1x16xf32>,
        %parallel_loop3A_479 = vector.shape_cast %parallel_loop3A_478 : vector<1x1x16xf32> to vector<16xf32>
        %parallel_loop3A_480 = vector.shape_cast %parallel_loop3A_473 : vector<16xf32> to vector<1x1x16xf32>
        tpu.vector_store %arg14[%parallel_loop3A_475, %parallel_loop3A_476, %parallel_loop3A_477], %parallel_loop3A_480 {strides = array<i32>} : memref<2x128x96xf32, #tpu.memory_space<vmem>>, vector<1x1x16xf32>,
        scf.yield %parallel_loop3A_361, %parallel_loop3A_362, %parallel_loop3A_363, %parallel_loop3A_364, %parallel_loop3A_365, %parallel_loop3A_366, %parallel_loop3A_367, %parallel_loop3A_368, %parallel_loop3A_369, %parallel_loop3A_370, %parallel_loop3A_371, %parallel_loop3A_372 : vector<16xi32>, vector<16xi32>, vector<16xi32>, vector<16xi32>, vector<16xi32>, vector<16xi32>, vector<16xi32>, vector<16xi32>, vector<16xi32>, vector<16xi32>, vector<16xi32>, vector<16xi32>
      } {sc.loop_unroll_factor = 4 : i64, sc.parallel_access}
      %dma_start3A_254 = arith.constant 0 : i32
      %dma_start3A_255 = arith.constant 0 : i32
      %dma_start3A_256 = arith.constant 0 : i32
      %dma_start3A_257 = tpu.memref_slice %arg14[%dma_start3A_254, %dma_start3A_255, %dma_start3A_256] : memref<2x128x96xf32, #tpu.memory_space<vmem>> -> memref<1x128x96xf32, #tpu.memory_space<vmem>>
      %dma_start3A_258 = tpu.memref_squeeze %dma_start3A_257 : memref<1x128x96xf32, #tpu.memory_space<vmem>> -> memref<128x96xf32, #tpu.memory_space<vmem>>
      %dma_start3A_259 = arith.constant 0 : i32
      %dma_start3A_260 = tpu.memref_slice %arg11[%add3A_178, %dma_start3A_259] : memref<40x128xi32, #tpu.memory_space<vmem>> -> memref<1x128xi32, #tpu.memory_space<vmem>>
      %dma_start3A_261 = tpu.memref_squeeze %dma_start3A_260 : memref<1x128xi32, #tpu.memory_space<vmem>> -> memref<128xi32, #tpu.memory_space<vmem>>
      %dma_start3A_262 = arith.constant 0 : i32
      %dma_start3A_263 = arith.constant 0 : i32
      %dma_start3A_264 = tpu.memref_slice %arg9[%dma_start3A_262, %dma_start3A_263] : memref<10112x96xf32, #tpu.memory_space<vmem_shared>> -> memref<10112x96xf32, #tpu.memory_space<vmem_shared>>
      tpu.enqueue_indirect_dma source(%dma_start3A_258 : memref<128x96xf32, #tpu.memory_space<vmem>>) target(%dma_start3A_264 : memref<10112x96xf32, #tpu.memory_space<vmem_shared>>) offsets(%dma_start3A_261 : memref<128xi32, #tpu.memory_space<vmem>>) semaphore(%arg20 : memref<!tpu.dma_semaphore, #tpu.memory_space<semaphore_mem>>) {add = true}
      %mul3A_265 = arith.constant 2 : i32
      %mul3A_266 = arith.muli %mul3A_265, %scan3A_162 : i32
      %add3A_267 = arith.constant 1 : i32
      %add3A_268 = arith.addi %mul3A_266, %add3A_267 : i32
      %dma_wait3A_269 = arith.constant 1 : i32
      %dma_wait3A_270 = arith.constant 0 : i32
      %dma_wait3A_271 = arith.constant 0 : i32
      %dma_wait3A_272 = tpu.memref_slice %arg12[%dma_wait3A_269, %dma_wait3A_270, %dma_wait3A_271] : memref<2x128x24xf32, #tpu.memory_space<vmem>> -> memref<1x128x24xf32, #tpu.memory_space<vmem>>
      %dma_wait3A_273 = tpu.memref_squeeze %dma_wait3A_272 : memref<1x128x24xf32, #tpu.memory_space<vmem>> -> memref<128x24xf32, #tpu.memory_space<vmem>>
      %dma_wait3A_274 = arith.constant 0 : i32
      %dma_wait3A_275 = arith.constant 0 : i32
      %dma_wait3A_276 = tpu.memref_slice %dma_wait3A_273[%dma_wait3A_274, %dma_wait3A_275] : memref<128x24xf32, #tpu.memory_space<vmem>> -> memref<64x24xf32, #tpu.memory_space<vmem>>
      %dma_wait3A_277 = arith.constant 0 : i32
      %dma_wait3A_278 = tpu.memref_slice %arg10[%add3A_268, %dma_wait3A_277] : memref<40x128xi32, #tpu.memory_space<vmem>> -> memref<1x128xi32, #tpu.memory_space<vmem>>
      %dma_wait3A_279 = tpu.memref_squeeze %dma_wait3A_278 : memref<1x128xi32, #tpu.memory_space<vmem>> -> memref<128xi32, #tpu.memory_space<vmem>>
      %dma_wait3A_280 = arith.constant 0 : i32
      %dma_wait3A_281 = tpu.memref_slice %dma_wait3A_279[%dma_wait3A_280] : memref<128xi32, #tpu.memory_space<vmem>> -> memref<64xi32, #tpu.memory_space<vmem>>
      %dma_wait3A_282 = arith.constant 0 : i32
      %dma_wait3A_283 = arith.constant 0 : i32
      %dma_wait3A_284 = tpu.memref_slice %arg2[%dma_wait3A_282, %dma_wait3A_283] : memref<10112x24xf32, #tpu.memory_space<hbm>> -> memref<10112x24xf32, #tpu.memory_space<hbm>>
      tpu.wait_indirect_dma semaphore(%arg17 : memref<!tpu.dma_semaphore, #tpu.memory_space<semaphore_mem>>) src(%dma_wait3A_284 : memref<10112x24xf32, #tpu.memory_space<hbm>>) dst(%dma_wait3A_276 : memref<64x24xf32, #tpu.memory_space<vmem>>)
      %dma_wait3A_285 = arith.constant 1 : i32
      %dma_wait3A_286 = arith.constant 0 : i32
      %dma_wait3A_287 = arith.constant 0 : i32
      %dma_wait3A_288 = tpu.memref_slice %arg13[%dma_wait3A_285, %dma_wait3A_286, %dma_wait3A_287] : memref<2x128x16xf32, #tpu.memory_space<vmem>> -> memref<1x128x16xf32, #tpu.memory_space<vmem>>
      %dma_wait3A_289 = tpu.memref_squeeze %dma_wait3A_288 : memref<1x128x16xf32, #tpu.memory_space<vmem>> -> memref<128x16xf32, #tpu.memory_space<vmem>>
      %dma_wait3A_290 = arith.constant 0 : i32
      %dma_wait3A_291 = arith.constant 0 : i32
      %dma_wait3A_292 = tpu.memref_slice %dma_wait3A_289[%dma_wait3A_290, %dma_wait3A_291] : memref<128x16xf32, #tpu.memory_space<vmem>> -> memref<64x16xf32, #tpu.memory_space<vmem>>
      %dma_wait3A_293 = arith.constant 0 : i32
      %dma_wait3A_294 = tpu.memref_slice %arg11[%add3A_268, %dma_wait3A_293] : memref<40x128xi32, #tpu.memory_space<vmem>> -> memref<1x128xi32, #tpu.memory_space<vmem>>
      %dma_wait3A_295 = tpu.memref_squeeze %dma_wait3A_294 : memref<1x128xi32, #tpu.memory_space<vmem>> -> memref<128xi32, #tpu.memory_space<vmem>>
      %dma_wait3A_296 = arith.constant 0 : i32
      %dma_wait3A_297 = tpu.memref_slice %dma_wait3A_295[%dma_wait3A_296] : memref<128xi32, #tpu.memory_space<vmem>> -> memref<64xi32, #tpu.memory_space<vmem>>
      %dma_wait3A_298 = arith.constant 0 : i32
      %dma_wait3A_299 = arith.constant 0 : i32
      %dma_wait3A_300 = tpu.memref_slice %arg3[%dma_wait3A_298, %dma_wait3A_299] : memref<10112x16xf32, #tpu.memory_space<hbm>> -> memref<10112x16xf32, #tpu.memory_space<hbm>>
      tpu.wait_indirect_dma semaphore(%arg19 : memref<!tpu.dma_semaphore, #tpu.memory_space<semaphore_mem>>) src(%dma_wait3A_300 : memref<10112x16xf32, #tpu.memory_space<hbm>>) dst(%dma_wait3A_292 : memref<64x16xf32, #tpu.memory_space<vmem>>)
      %dma_wait3A_301 = arith.constant 1 : i32
      %dma_wait3A_302 = arith.constant 0 : i32
      %dma_wait3A_303 = arith.constant 0 : i32
      %dma_wait3A_304 = tpu.memref_slice %arg12[%dma_wait3A_301, %dma_wait3A_302, %dma_wait3A_303] : memref<2x128x24xf32, #tpu.memory_space<vmem>> -> memref<1x128x24xf32, #tpu.memory_space<vmem>>
      %dma_wait3A_305 = tpu.memref_squeeze %dma_wait3A_304 : memref<1x128x24xf32, #tpu.memory_space<vmem>> -> memref<128x24xf32, #tpu.memory_space<vmem>>
      %dma_wait3A_306 = arith.constant 64 : i32
      %dma_wait3A_307 = arith.constant 0 : i32
      %dma_wait3A_308 = tpu.memref_slice %dma_wait3A_305[%dma_wait3A_306, %dma_wait3A_307] : memref<128x24xf32, #tpu.memory_space<vmem>> -> memref<64x24xf32, #tpu.memory_space<vmem>>
      %dma_wait3A_309 = arith.constant 0 : i32
      %dma_wait3A_310 = tpu.memref_slice %arg10[%add3A_268, %dma_wait3A_309] : memref<40x128xi32, #tpu.memory_space<vmem>> -> memref<1x128xi32, #tpu.memory_space<vmem>>
      %dma_wait3A_311 = tpu.memref_squeeze %dma_wait3A_310 : memref<1x128xi32, #tpu.memory_space<vmem>> -> memref<128xi32, #tpu.memory_space<vmem>>
      %dma_wait3A_312 = arith.constant 64 : i32
      %dma_wait3A_313 = tpu.memref_slice %dma_wait3A_311[%dma_wait3A_312] : memref<128xi32, #tpu.memory_space<vmem>> -> memref<64xi32, #tpu.memory_space<vmem>>
      %dma_wait3A_314 = arith.constant 0 : i32
      %dma_wait3A_315 = arith.constant 0 : i32
      %dma_wait3A_316 = tpu.memref_slice %arg2[%dma_wait3A_314, %dma_wait3A_315] : memref<10112x24xf32, #tpu.memory_space<hbm>> -> memref<10112x24xf32, #tpu.memory_space<hbm>>
      tpu.wait_indirect_dma semaphore(%arg17 : memref<!tpu.dma_semaphore, #tpu.memory_space<semaphore_mem>>) src(%dma_wait3A_316 : memref<10112x24xf32, #tpu.memory_space<hbm>>) dst(%dma_wait3A_308 : memref<64x24xf32, #tpu.memory_space<vmem>>)
      %dma_wait3A_317 = arith.constant 1 : i32
      %dma_wait3A_318 = arith.constant 0 : i32
      %dma_wait3A_319 = arith.constant 0 : i32
      %dma_wait3A_320 = tpu.memref_slice %arg13[%dma_wait3A_317, %dma_wait3A_318, %dma_wait3A_319] : memref<2x128x16xf32, #tpu.memory_space<vmem>> -> memref<1x128x16xf32, #tpu.memory_space<vmem>>
      %dma_wait3A_321 = tpu.memref_squeeze %dma_wait3A_320 : memref<1x128x16xf32, #tpu.memory_space<vmem>> -> memref<128x16xf32, #tpu.memory_space<vmem>>
      %dma_wait3A_322 = arith.constant 64 : i32
      %dma_wait3A_323 = arith.constant 0 : i32
      %dma_wait3A_324 = tpu.memref_slice %dma_wait3A_321[%dma_wait3A_322, %dma_wait3A_323] : memref<128x16xf32, #tpu.memory_space<vmem>> -> memref<64x16xf32, #tpu.memory_space<vmem>>
      %dma_wait3A_325 = arith.constant 0 : i32
      %dma_wait3A_326 = tpu.memref_slice %arg11[%add3A_268, %dma_wait3A_325] : memref<40x128xi32, #tpu.memory_space<vmem>> -> memref<1x128xi32, #tpu.memory_space<vmem>>
      %dma_wait3A_327 = tpu.memref_squeeze %dma_wait3A_326 : memref<1x128xi32, #tpu.memory_space<vmem>> -> memref<128xi32, #tpu.memory_space<vmem>>
      %dma_wait3A_328 = arith.constant 64 : i32
      %dma_wait3A_329 = tpu.memref_slice %dma_wait3A_327[%dma_wait3A_328] : memref<128xi32, #tpu.memory_space<vmem>> -> memref<64xi32, #tpu.memory_space<vmem>>
      %dma_wait3A_330 = arith.constant 0 : i32
      %dma_wait3A_331 = arith.constant 0 : i32
      %dma_wait3A_332 = tpu.memref_slice %arg3[%dma_wait3A_330, %dma_wait3A_331] : memref<10112x16xf32, #tpu.memory_space<hbm>> -> memref<10112x16xf32, #tpu.memory_space<hbm>>
      tpu.wait_indirect_dma semaphore(%arg19 : memref<!tpu.dma_semaphore, #tpu.memory_space<semaphore_mem>>) src(%dma_wait3A_332 : memref<10112x16xf32, #tpu.memory_space<hbm>>) dst(%dma_wait3A_324 : memref<64x16xf32, #tpu.memory_space<vmem>>)
      %add3A_333 = arith.constant 1 : i32
      %add3A_334 = arith.addi %add3A_268, %add3A_333 : i32
      %lt3A_335 = arith.constant 40 : i32
      %lt3A_336 = arith.cmpi slt, %add3A_334, %lt3A_335 : i32
      %convert_element_type3A_337 = arith.extui %lt3A_336 : i1 to i32
      %cond3A_338 = arith.constant 0 : i32
      %cond3A_339 = arith.cmpi ne, %convert_element_type3A_337, %cond3A_338 : i32
      scf.if %cond3A_339 {
        %add3A_360 = arith.constant 1 : i32
        %add3A_361 = arith.addi %add3A_268, %add3A_360 : i32
        %dma_start3A_362 = arith.constant 0 : i32
        %dma_start3A_363 = arith.constant 0 : i32
        %dma_start3A_364 = arith.constant 0 : i32
        %dma_start3A_365 = tpu.memref_slice %arg12[%dma_start3A_362, %dma_start3A_363, %dma_start3A_364] : memref<2x128x24xf32, #tpu.memory_space<vmem>> -> memref<1x128x24xf32, #tpu.memory_space<vmem>>
        %dma_start3A_366 = tpu.memref_squeeze %dma_start3A_365 : memref<1x128x24xf32, #tpu.memory_space<vmem>> -> memref<128x24xf32, #tpu.memory_space<vmem>>
        %dma_start3A_367 = arith.constant 0 : i32
        %dma_start3A_368 = arith.constant 0 : i32
        %dma_start3A_369 = tpu.memref_slice %dma_start3A_366[%dma_start3A_367, %dma_start3A_368] : memref<128x24xf32, #tpu.memory_space<vmem>> -> memref<64x24xf32, #tpu.memory_space<vmem>>
        %dma_start3A_370 = arith.constant 0 : i32
        %dma_start3A_371 = tpu.memref_slice %arg10[%add3A_361, %dma_start3A_370] : memref<40x128xi32, #tpu.memory_space<vmem>> -> memref<1x128xi32, #tpu.memory_space<vmem>>
        %dma_start3A_372 = tpu.memref_squeeze %dma_start3A_371 : memref<1x128xi32, #tpu.memory_space<vmem>> -> memref<128xi32, #tpu.memory_space<vmem>>
        %dma_start3A_373 = arith.constant 0 : i32
        %dma_start3A_374 = tpu.memref_slice %dma_start3A_372[%dma_start3A_373] : memref<128xi32, #tpu.memory_space<vmem>> -> memref<64xi32, #tpu.memory_space<vmem>>
        %dma_start3A_375 = arith.constant 0 : i32
        %dma_start3A_376 = arith.constant 0 : i32
        %dma_start3A_377 = tpu.memref_slice %arg2[%dma_start3A_375, %dma_start3A_376] : memref<10112x24xf32, #tpu.memory_space<hbm>> -> memref<10112x24xf32, #tpu.memory_space<hbm>>
        tpu.enqueue_indirect_dma source(%dma_start3A_377 : memref<10112x24xf32, #tpu.memory_space<hbm>>) target(%dma_start3A_369 : memref<64x24xf32, #tpu.memory_space<vmem>>) offsets(%dma_start3A_374 : memref<64xi32, #tpu.memory_space<vmem>>) semaphore(%arg16 : memref<!tpu.dma_semaphore, #tpu.memory_space<semaphore_mem>>)
        %dma_start3A_378 = arith.constant 0 : i32
        %dma_start3A_379 = arith.constant 0 : i32
        %dma_start3A_380 = arith.constant 0 : i32
        %dma_start3A_381 = tpu.memref_slice %arg13[%dma_start3A_378, %dma_start3A_379, %dma_start3A_380] : memref<2x128x16xf32, #tpu.memory_space<vmem>> -> memref<1x128x16xf32, #tpu.memory_space<vmem>>
        %dma_start3A_382 = tpu.memref_squeeze %dma_start3A_381 : memref<1x128x16xf32, #tpu.memory_space<vmem>> -> memref<128x16xf32, #tpu.memory_space<vmem>>
        %dma_start3A_383 = arith.constant 0 : i32
        %dma_start3A_384 = arith.constant 0 : i32
        %dma_start3A_385 = tpu.memref_slice %dma_start3A_382[%dma_start3A_383, %dma_start3A_384] : memref<128x16xf32, #tpu.memory_space<vmem>> -> memref<64x16xf32, #tpu.memory_space<vmem>>
        %dma_start3A_386 = arith.constant 0 : i32
        %dma_start3A_387 = tpu.memref_slice %arg11[%add3A_361, %dma_start3A_386] : memref<40x128xi32, #tpu.memory_space<vmem>> -> memref<1x128xi32, #tpu.memory_space<vmem>>
        %dma_start3A_388 = tpu.memref_squeeze %dma_start3A_387 : memref<1x128xi32, #tpu.memory_space<vmem>> -> memref<128xi32, #tpu.memory_space<vmem>>
        %dma_start3A_389 = arith.constant 0 : i32
        %dma_start3A_390 = tpu.memref_slice %dma_start3A_388[%dma_start3A_389] : memref<128xi32, #tpu.memory_space<vmem>> -> memref<64xi32, #tpu.memory_space<vmem>>
        %dma_start3A_391 = arith.constant 0 : i32
        %dma_start3A_392 = arith.constant 0 : i32
        %dma_start3A_393 = tpu.memref_slice %arg3[%dma_start3A_391, %dma_start3A_392] : memref<10112x16xf32, #tpu.memory_space<hbm>> -> memref<10112x16xf32, #tpu.memory_space<hbm>>
        tpu.enqueue_indirect_dma source(%dma_start3A_393 : memref<10112x16xf32, #tpu.memory_space<hbm>>) target(%dma_start3A_385 : memref<64x16xf32, #tpu.memory_space<vmem>>) offsets(%dma_start3A_390 : memref<64xi32, #tpu.memory_space<vmem>>) semaphore(%arg18 : memref<!tpu.dma_semaphore, #tpu.memory_space<semaphore_mem>>)
        %dma_start3A_394 = arith.constant 0 : i32
        %dma_start3A_395 = arith.constant 0 : i32
        %dma_start3A_396 = arith.constant 0 : i32
        %dma_start3A_397 = tpu.memref_slice %arg12[%dma_start3A_394, %dma_start3A_395, %dma_start3A_396] : memref<2x128x24xf32, #tpu.memory_space<vmem>> -> memref<1x128x24xf32, #tpu.memory_space<vmem>>
        %dma_start3A_398 = tpu.memref_squeeze %dma_start3A_397 : memref<1x128x24xf32, #tpu.memory_space<vmem>> -> memref<128x24xf32, #tpu.memory_space<vmem>>
        %dma_start3A_399 = arith.constant 64 : i32
        %dma_start3A_400 = arith.constant 0 : i32
        %dma_start3A_401 = tpu.memref_slice %dma_start3A_398[%dma_start3A_399, %dma_start3A_400] : memref<128x24xf32, #tpu.memory_space<vmem>> -> memref<64x24xf32, #tpu.memory_space<vmem>>
        %dma_start3A_402 = arith.constant 0 : i32
        %dma_start3A_403 = tpu.memref_slice %arg10[%add3A_361, %dma_start3A_402] : memref<40x128xi32, #tpu.memory_space<vmem>> -> memref<1x128xi32, #tpu.memory_space<vmem>>
        %dma_start3A_404 = tpu.memref_squeeze %dma_start3A_403 : memref<1x128xi32, #tpu.memory_space<vmem>> -> memref<128xi32, #tpu.memory_space<vmem>>
        %dma_start3A_405 = arith.constant 64 : i32
        %dma_start3A_406 = tpu.memref_slice %dma_start3A_404[%dma_start3A_405] : memref<128xi32, #tpu.memory_space<vmem>> -> memref<64xi32, #tpu.memory_space<vmem>>
        %dma_start3A_407 = arith.constant 0 : i32
        %dma_start3A_408 = arith.constant 0 : i32
        %dma_start3A_409 = tpu.memref_slice %arg2[%dma_start3A_407, %dma_start3A_408] : memref<10112x24xf32, #tpu.memory_space<hbm>> -> memref<10112x24xf32, #tpu.memory_space<hbm>>
        tpu.enqueue_indirect_dma source(%dma_start3A_409 : memref<10112x24xf32, #tpu.memory_space<hbm>>) target(%dma_start3A_401 : memref<64x24xf32, #tpu.memory_space<vmem>>) offsets(%dma_start3A_406 : memref<64xi32, #tpu.memory_space<vmem>>) semaphore(%arg16 : memref<!tpu.dma_semaphore, #tpu.memory_space<semaphore_mem>>)
        %dma_start3A_410 = arith.constant 0 : i32
        %dma_start3A_411 = arith.constant 0 : i32
        %dma_start3A_412 = arith.constant 0 : i32
        %dma_start3A_413 = tpu.memref_slice %arg13[%dma_start3A_410, %dma_start3A_411, %dma_start3A_412] : memref<2x128x16xf32, #tpu.memory_space<vmem>> -> memref<1x128x16xf32, #tpu.memory_space<vmem>>
        %dma_start3A_414 = tpu.memref_squeeze %dma_start3A_413 : memref<1x128x16xf32, #tpu.memory_space<vmem>> -> memref<128x16xf32, #tpu.memory_space<vmem>>
        %dma_start3A_415 = arith.constant 64 : i32
        %dma_start3A_416 = arith.constant 0 : i32
        %dma_start3A_417 = tpu.memref_slice %dma_start3A_414[%dma_start3A_415, %dma_start3A_416] : memref<128x16xf32, #tpu.memory_space<vmem>> -> memref<64x16xf32, #tpu.memory_space<vmem>>
        %dma_start3A_418 = arith.constant 0 : i32
        %dma_start3A_419 = tpu.memref_slice %arg11[%add3A_361, %dma_start3A_418] : memref<40x128xi32, #tpu.memory_space<vmem>> -> memref<1x128xi32, #tpu.memory_space<vmem>>
        %dma_start3A_420 = tpu.memref_squeeze %dma_start3A_419 : memref<1x128xi32, #tpu.memory_space<vmem>> -> memref<128xi32, #tpu.memory_space<vmem>>
        %dma_start3A_421 = arith.constant 64 : i32
        %dma_start3A_422 = tpu.memref_slice %dma_start3A_420[%dma_start3A_421] : memref<128xi32, #tpu.memory_space<vmem>> -> memref<64xi32, #tpu.memory_space<vmem>>
        %dma_start3A_423 = arith.constant 0 : i32
        %dma_start3A_424 = arith.constant 0 : i32
        %dma_start3A_425 = tpu.memref_slice %arg3[%dma_start3A_423, %dma_start3A_424] : memref<10112x16xf32, #tpu.memory_space<hbm>> -> memref<10112x16xf32, #tpu.memory_space<hbm>>
        tpu.enqueue_indirect_dma source(%dma_start3A_425 : memref<10112x16xf32, #tpu.memory_space<hbm>>) target(%dma_start3A_417 : memref<64x16xf32, #tpu.memory_space<vmem>>) offsets(%dma_start3A_422 : memref<64xi32, #tpu.memory_space<vmem>>) semaphore(%arg18 : memref<!tpu.dma_semaphore, #tpu.memory_space<semaphore_mem>>)
      } else {
      }
      %ge3A_340 = arith.constant 2 : i32
      %ge3A_341 = arith.cmpi sge, %add3A_268, %ge3A_340 : i32
      %convert_element_type3A_342 = arith.extui %ge3A_341 : i1 to i32
      %cond3A_343 = arith.constant 0 : i32
      %cond3A_344 = arith.cmpi ne, %convert_element_type3A_342, %cond3A_343 : i32
      scf.if %cond3A_344 {
        %dma_wait3A_360 = arith.constant 1 : i32
        %dma_wait3A_361 = arith.constant 0 : i32
        %dma_wait3A_362 = arith.constant 0 : i32
        %dma_wait3A_363 = tpu.memref_slice %arg14[%dma_wait3A_360, %dma_wait3A_361, %dma_wait3A_362] : memref<2x128x96xf32, #tpu.memory_space<vmem>> -> memref<1x128x96xf32, #tpu.memory_space<vmem>>
        %dma_wait3A_364 = tpu.memref_squeeze %dma_wait3A_363 : memref<1x128x96xf32, #tpu.memory_space<vmem>> -> memref<128x96xf32, #tpu.memory_space<vmem>>
        %dma_wait3A_365 = arith.constant 0 : i32
        %dma_wait3A_366 = tpu.memref_slice %arg11[%add3A_268, %dma_wait3A_365] : memref<40x128xi32, #tpu.memory_space<vmem>> -> memref<1x128xi32, #tpu.memory_space<vmem>>
        %dma_wait3A_367 = tpu.memref_squeeze %dma_wait3A_366 : memref<1x128xi32, #tpu.memory_space<vmem>> -> memref<128xi32, #tpu.memory_space<vmem>>
        %dma_wait3A_368 = arith.constant 0 : i32
        %dma_wait3A_369 = arith.constant 0 : i32
        %dma_wait3A_370 = tpu.memref_slice %arg9[%dma_wait3A_368, %dma_wait3A_369] : memref<10112x96xf32, #tpu.memory_space<vmem_shared>> -> memref<10112x96xf32, #tpu.memory_space<vmem_shared>>
        tpu.wait_indirect_dma semaphore(%arg21 : memref<!tpu.dma_semaphore, #tpu.memory_space<semaphore_mem>>) src(%dma_wait3A_364 : memref<128x96xf32, #tpu.memory_space<vmem>>) dst(%dma_wait3A_370 : memref<10112x96xf32, #tpu.memory_space<vmem_shared>>)
      } else {
      }
      %parallel_loop3A_345 = arith.constant 0 : i32
      %parallel_loop3A_346 = arith.constant 128 : i32
      %parallel_loop3A_347 = arith.constant 1 : i32
      %parallel_loop3A_348:12 = scf.for %parallel_loop3A_360 = %parallel_loop3A_345 to %parallel_loop3A_346 step %parallel_loop3A_347 iter_args(%parallel_loop3A_361 = %parallel_loop3A_253#0, %parallel_loop3A_362 = %parallel_loop3A_253#1, %parallel_loop3A_363 = %parallel_loop3A_253#2, %parallel_loop3A_364 = %parallel_loop3A_253#3, %parallel_loop3A_365 = %parallel_loop3A_253#4, %parallel_loop3A_366 = %parallel_loop3A_253#5, %parallel_loop3A_367 = %parallel_loop3A_253#6, %parallel_loop3A_368 = %parallel_loop3A_253#7, %parallel_loop3A_369 = %parallel_loop3A_253#8, %parallel_loop3A_370 = %parallel_loop3A_253#9, %parallel_loop3A_371 = %parallel_loop3A_253#10, %parallel_loop3A_372 = %parallel_loop3A_253#11) -> (vector<16xi32>, vector<16xi32>, vector<16xi32>, vector<16xi32>, vector<16xi32>, vector<16xi32>, vector<16xi32>, vector<16xi32>, vector<16xi32>, vector<16xi32>, vector<16xi32>, vector<16xi32>)  : i32 {
        %parallel_loop3A_373 = arith.constant 1 : i32
        %parallel_loop3A_374 = arith.index_cast %parallel_loop3A_373 : i32 to index
        %parallel_loop3A_375 = arith.index_cast %parallel_loop3A_360 : i32 to index
        %parallel_loop3A_376 = arith.constant 0 : index
        %parallel_loop3A_377 = tpu.vector_load %arg12[%parallel_loop3A_374, %parallel_loop3A_375, %parallel_loop3A_376] {strides = array<i32>} : memref<2x128x24xf32, #tpu.memory_space<vmem>>, vector<1x1x16xf32>,
        %parallel_loop3A_378 = vector.shape_cast %parallel_loop3A_377 : vector<1x1x16xf32> to vector<16xf32>
        %parallel_loop3A_379 = arith.constant 1 : i32
        %parallel_loop3A_380 = arith.index_cast %parallel_loop3A_379 : i32 to index
        %parallel_loop3A_381 = arith.index_cast %parallel_loop3A_360 : i32 to index
        %parallel_loop3A_382 = arith.constant 8 : index
        %parallel_loop3A_383 = tpu.vector_load %arg12[%parallel_loop3A_380, %parallel_loop3A_381, %parallel_loop3A_382] {strides = array<i32>} : memref<2x128x24xf32, #tpu.memory_space<vmem>>, vector<1x1x16xf32>,
        %parallel_loop3A_384 = vector.shape_cast %parallel_loop3A_383 : vector<1x1x16xf32> to vector<16xf32>
        %parallel_loop3A_385 = arith.constant 1 : i32
        %parallel_loop3A_386 = arith.index_cast %parallel_loop3A_385 : i32 to index
        %parallel_loop3A_387 = arith.index_cast %parallel_loop3A_360 : i32 to index
        %parallel_loop3A_388 = arith.constant 0 : index
        %parallel_loop3A_389 = tpu.vector_load %arg13[%parallel_loop3A_386, %parallel_loop3A_387, %parallel_loop3A_388] {strides = array<i32>} : memref<2x128x16xf32, #tpu.memory_space<vmem>>, vector<1x1x16xf32>,
        %parallel_loop3A_390 = vector.shape_cast %parallel_loop3A_389 : vector<1x1x16xf32> to vector<16xf32>
        %parallel_loop3A_391 = arith.addf %parallel_loop3A_378, %parallel_loop3A_390 : vector<16xf32>
        %parallel_loop3A_392 = arith.constant 2.000000e-01 : f32
        %parallel_loop3A_393 = vector.broadcast %parallel_loop3A_392 : f32 to vector<16xf32>
        %parallel_loop3A_394 = arith.mulf %parallel_loop3A_393, %parallel_loop3A_391 : vector<16xf32>
        %parallel_loop3A_395 = arith.maximumf %parallel_loop3A_391, %parallel_loop3A_394 : vector<16xf32>
        %parallel_loop3A_396 = math.exp %parallel_loop3A_395 : vector<16xf32>
        %parallel_loop3A_397 = vector.shape_cast %parallel_loop3A_361 : vector<16xi32> to vector<16x1xi32>
        %parallel_loop3A_398 = vector.shape_cast %parallel_loop3A_397 : vector<16x1xi32> to vector<16xi32>
        %parallel_loop3A_399 = tpu.dynamic_gather %parallel_loop3A_396[%parallel_loop3A_398] in [0] : vector<16xf32>, vector<16xi32> -> vector<16xf32>
        %parallel_loop3A_400 = vector.shape_cast %parallel_loop3A_367 : vector<16xi32> to vector<16x1xi32>
        %parallel_loop3A_401 = vector.shape_cast %parallel_loop3A_400 : vector<16x1xi32> to vector<16xi32>
        %parallel_loop3A_402 = tpu.dynamic_gather %parallel_loop3A_384[%parallel_loop3A_401] in [0] : vector<16xf32>, vector<16xi32> -> vector<16xf32>
        %parallel_loop3A_403 = arith.mulf %parallel_loop3A_399, %parallel_loop3A_402 : vector<16xf32>
        %parallel_loop3A_404 = arith.constant 1 : i32
        %parallel_loop3A_405 = arith.index_cast %parallel_loop3A_404 : i32 to index
        %parallel_loop3A_406 = arith.index_cast %parallel_loop3A_360 : i32 to index
        %parallel_loop3A_407 = arith.constant 0 : index
        %parallel_loop3A_408 = tpu.vector_load %arg14[%parallel_loop3A_405, %parallel_loop3A_406, %parallel_loop3A_407] {strides = array<i32>} : memref<2x128x96xf32, #tpu.memory_space<vmem>>, vector<1x1x16xf32>,
        %parallel_loop3A_409 = vector.shape_cast %parallel_loop3A_408 : vector<1x1x16xf32> to vector<16xf32>
        %parallel_loop3A_410 = vector.shape_cast %parallel_loop3A_403 : vector<16xf32> to vector<1x1x16xf32>
        tpu.vector_store %arg14[%parallel_loop3A_405, %parallel_loop3A_406, %parallel_loop3A_407], %parallel_loop3A_410 {strides = array<i32>} : memref<2x128x96xf32, #tpu.memory_space<vmem>>, vector<1x1x16xf32>,
        %parallel_loop3A_411 = vector.shape_cast %parallel_loop3A_362 : vector<16xi32> to vector<16x1xi32>
        %parallel_loop3A_412 = vector.shape_cast %parallel_loop3A_411 : vector<16x1xi32> to vector<16xi32>
        %parallel_loop3A_413 = tpu.dynamic_gather %parallel_loop3A_396[%parallel_loop3A_412] in [0] : vector<16xf32>, vector<16xi32> -> vector<16xf32>
        %parallel_loop3A_414 = vector.shape_cast %parallel_loop3A_368 : vector<16xi32> to vector<16x1xi32>
        %parallel_loop3A_415 = vector.shape_cast %parallel_loop3A_414 : vector<16x1xi32> to vector<16xi32>
        %parallel_loop3A_416 = tpu.dynamic_gather %parallel_loop3A_384[%parallel_loop3A_415] in [0] : vector<16xf32>, vector<16xi32> -> vector<16xf32>
        %parallel_loop3A_417 = arith.mulf %parallel_loop3A_413, %parallel_loop3A_416 : vector<16xf32>
        %parallel_loop3A_418 = arith.constant 1 : i32
        %parallel_loop3A_419 = arith.index_cast %parallel_loop3A_418 : i32 to index
        %parallel_loop3A_420 = arith.index_cast %parallel_loop3A_360 : i32 to index
        %parallel_loop3A_421 = arith.constant 16 : index
        %parallel_loop3A_422 = tpu.vector_load %arg14[%parallel_loop3A_419, %parallel_loop3A_420, %parallel_loop3A_421] {strides = array<i32>} : memref<2x128x96xf32, #tpu.memory_space<vmem>>, vector<1x1x16xf32>,
        %parallel_loop3A_423 = vector.shape_cast %parallel_loop3A_422 : vector<1x1x16xf32> to vector<16xf32>
        %parallel_loop3A_424 = vector.shape_cast %parallel_loop3A_417 : vector<16xf32> to vector<1x1x16xf32>
        tpu.vector_store %arg14[%parallel_loop3A_419, %parallel_loop3A_420, %parallel_loop3A_421], %parallel_loop3A_424 {strides = array<i32>} : memref<2x128x96xf32, #tpu.memory_space<vmem>>, vector<1x1x16xf32>,
        %parallel_loop3A_425 = vector.shape_cast %parallel_loop3A_363 : vector<16xi32> to vector<16x1xi32>
        %parallel_loop3A_426 = vector.shape_cast %parallel_loop3A_425 : vector<16x1xi32> to vector<16xi32>
        %parallel_loop3A_427 = tpu.dynamic_gather %parallel_loop3A_396[%parallel_loop3A_426] in [0] : vector<16xf32>, vector<16xi32> -> vector<16xf32>
        %parallel_loop3A_428 = vector.shape_cast %parallel_loop3A_369 : vector<16xi32> to vector<16x1xi32>
        %parallel_loop3A_429 = vector.shape_cast %parallel_loop3A_428 : vector<16x1xi32> to vector<16xi32>
        %parallel_loop3A_430 = tpu.dynamic_gather %parallel_loop3A_384[%parallel_loop3A_429] in [0] : vector<16xf32>, vector<16xi32> -> vector<16xf32>
        %parallel_loop3A_431 = arith.mulf %parallel_loop3A_427, %parallel_loop3A_430 : vector<16xf32>
        %parallel_loop3A_432 = arith.constant 1 : i32
        %parallel_loop3A_433 = arith.index_cast %parallel_loop3A_432 : i32 to index
        %parallel_loop3A_434 = arith.index_cast %parallel_loop3A_360 : i32 to index
        %parallel_loop3A_435 = arith.constant 32 : index
        %parallel_loop3A_436 = tpu.vector_load %arg14[%parallel_loop3A_433, %parallel_loop3A_434, %parallel_loop3A_435] {strides = array<i32>} : memref<2x128x96xf32, #tpu.memory_space<vmem>>, vector<1x1x16xf32>,
        %parallel_loop3A_437 = vector.shape_cast %parallel_loop3A_436 : vector<1x1x16xf32> to vector<16xf32>
        %parallel_loop3A_438 = vector.shape_cast %parallel_loop3A_431 : vector<16xf32> to vector<1x1x16xf32>
        tpu.vector_store %arg14[%parallel_loop3A_433, %parallel_loop3A_434, %parallel_loop3A_435], %parallel_loop3A_438 {strides = array<i32>} : memref<2x128x96xf32, #tpu.memory_space<vmem>>, vector<1x1x16xf32>,
        %parallel_loop3A_439 = vector.shape_cast %parallel_loop3A_364 : vector<16xi32> to vector<16x1xi32>
        %parallel_loop3A_440 = vector.shape_cast %parallel_loop3A_439 : vector<16x1xi32> to vector<16xi32>
        %parallel_loop3A_441 = tpu.dynamic_gather %parallel_loop3A_396[%parallel_loop3A_440] in [0] : vector<16xf32>, vector<16xi32> -> vector<16xf32>
        %parallel_loop3A_442 = vector.shape_cast %parallel_loop3A_370 : vector<16xi32> to vector<16x1xi32>
        %parallel_loop3A_443 = vector.shape_cast %parallel_loop3A_442 : vector<16x1xi32> to vector<16xi32>
        %parallel_loop3A_444 = tpu.dynamic_gather %parallel_loop3A_384[%parallel_loop3A_443] in [0] : vector<16xf32>, vector<16xi32> -> vector<16xf32>
        %parallel_loop3A_445 = arith.mulf %parallel_loop3A_441, %parallel_loop3A_444 : vector<16xf32>
        %parallel_loop3A_446 = arith.constant 1 : i32
        %parallel_loop3A_447 = arith.index_cast %parallel_loop3A_446 : i32 to index
        %parallel_loop3A_448 = arith.index_cast %parallel_loop3A_360 : i32 to index
        %parallel_loop3A_449 = arith.constant 48 : index
        %parallel_loop3A_450 = tpu.vector_load %arg14[%parallel_loop3A_447, %parallel_loop3A_448, %parallel_loop3A_449] {strides = array<i32>} : memref<2x128x96xf32, #tpu.memory_space<vmem>>, vector<1x1x16xf32>,
        %parallel_loop3A_451 = vector.shape_cast %parallel_loop3A_450 : vector<1x1x16xf32> to vector<16xf32>
        %parallel_loop3A_452 = vector.shape_cast %parallel_loop3A_445 : vector<16xf32> to vector<1x1x16xf32>
        tpu.vector_store %arg14[%parallel_loop3A_447, %parallel_loop3A_448, %parallel_loop3A_449], %parallel_loop3A_452 {strides = array<i32>} : memref<2x128x96xf32, #tpu.memory_space<vmem>>, vector<1x1x16xf32>,
        %parallel_loop3A_453 = vector.shape_cast %parallel_loop3A_365 : vector<16xi32> to vector<16x1xi32>
        %parallel_loop3A_454 = vector.shape_cast %parallel_loop3A_453 : vector<16x1xi32> to vector<16xi32>
        %parallel_loop3A_455 = tpu.dynamic_gather %parallel_loop3A_396[%parallel_loop3A_454] in [0] : vector<16xf32>, vector<16xi32> -> vector<16xf32>
        %parallel_loop3A_456 = vector.shape_cast %parallel_loop3A_371 : vector<16xi32> to vector<16x1xi32>
        %parallel_loop3A_457 = vector.shape_cast %parallel_loop3A_456 : vector<16x1xi32> to vector<16xi32>
        %parallel_loop3A_458 = tpu.dynamic_gather %parallel_loop3A_384[%parallel_loop3A_457] in [0] : vector<16xf32>, vector<16xi32> -> vector<16xf32>
        %parallel_loop3A_459 = arith.mulf %parallel_loop3A_455, %parallel_loop3A_458 : vector<16xf32>
        %parallel_loop3A_460 = arith.constant 1 : i32
        %parallel_loop3A_461 = arith.index_cast %parallel_loop3A_460 : i32 to index
        %parallel_loop3A_462 = arith.index_cast %parallel_loop3A_360 : i32 to index
        %parallel_loop3A_463 = arith.constant 64 : index
        %parallel_loop3A_464 = tpu.vector_load %arg14[%parallel_loop3A_461, %parallel_loop3A_462, %parallel_loop3A_463] {strides = array<i32>} : memref<2x128x96xf32, #tpu.memory_space<vmem>>, vector<1x1x16xf32>,
        %parallel_loop3A_465 = vector.shape_cast %parallel_loop3A_464 : vector<1x1x16xf32> to vector<16xf32>
        %parallel_loop3A_466 = vector.shape_cast %parallel_loop3A_459 : vector<16xf32> to vector<1x1x16xf32>
        tpu.vector_store %arg14[%parallel_loop3A_461, %parallel_loop3A_462, %parallel_loop3A_463], %parallel_loop3A_466 {strides = array<i32>} : memref<2x128x96xf32, #tpu.memory_space<vmem>>, vector<1x1x16xf32>,
        %parallel_loop3A_467 = vector.shape_cast %parallel_loop3A_366 : vector<16xi32> to vector<16x1xi32>
        %parallel_loop3A_468 = vector.shape_cast %parallel_loop3A_467 : vector<16x1xi32> to vector<16xi32>
        %parallel_loop3A_469 = tpu.dynamic_gather %parallel_loop3A_396[%parallel_loop3A_468] in [0] : vector<16xf32>, vector<16xi32> -> vector<16xf32>
        %parallel_loop3A_470 = vector.shape_cast %parallel_loop3A_372 : vector<16xi32> to vector<16x1xi32>
        %parallel_loop3A_471 = vector.shape_cast %parallel_loop3A_470 : vector<16x1xi32> to vector<16xi32>
        %parallel_loop3A_472 = tpu.dynamic_gather %parallel_loop3A_384[%parallel_loop3A_471] in [0] : vector<16xf32>, vector<16xi32> -> vector<16xf32>
        %parallel_loop3A_473 = arith.mulf %parallel_loop3A_469, %parallel_loop3A_472 : vector<16xf32>
        %parallel_loop3A_474 = arith.constant 1 : i32
        %parallel_loop3A_475 = arith.index_cast %parallel_loop3A_474 : i32 to index
        %parallel_loop3A_476 = arith.index_cast %parallel_loop3A_360 : i32 to index
        %parallel_loop3A_477 = arith.constant 80 : index
        %parallel_loop3A_478 = tpu.vector_load %arg14[%parallel_loop3A_475, %parallel_loop3A_476, %parallel_loop3A_477] {strides = array<i32>} : memref<2x128x96xf32, #tpu.memory_space<vmem>>, vector<1x1x16xf32>,
        %parallel_loop3A_479 = vector.shape_cast %parallel_loop3A_478 : vector<1x1x16xf32> to vector<16xf32>
        %parallel_loop3A_480 = vector.shape_cast %parallel_loop3A_473 : vector<16xf32> to vector<1x1x16xf32>
        tpu.vector_store %arg14[%parallel_loop3A_475, %parallel_loop3A_476, %parallel_loop3A_477], %parallel_loop3A_480 {strides = array<i32>} : memref<2x128x96xf32, #tpu.memory_space<vmem>>, vector<1x1x16xf32>,
        scf.yield %parallel_loop3A_361, %parallel_loop3A_362, %parallel_loop3A_363, %parallel_loop3A_364, %parallel_loop3A_365, %parallel_loop3A_366, %parallel_loop3A_367, %parallel_loop3A_368, %parallel_loop3A_369, %parallel_loop3A_370, %parallel_loop3A_371, %parallel_loop3A_372 : vector<16xi32>, vector<16xi32>, vector<16xi32>, vector<16xi32>, vector<16xi32>, vector<16xi32>, vector<16xi32>, vector<16xi32>, vector<16xi32>, vector<16xi32>, vector<16xi32>, vector<16xi32>
      } {sc.loop_unroll_factor = 4 : i64, sc.parallel_access}
      %dma_start3A_349 = arith.constant 1 : i32
      %dma_start3A_350 = arith.constant 0 : i32
      %dma_start3A_351 = arith.constant 0 : i32
      %dma_start3A_352 = tpu.memref_slice %arg14[%dma_start3A_349, %dma_start3A_350, %dma_start3A_351] : memref<2x128x96xf32, #tpu.memory_space<vmem>> -> memref<1x128x96xf32, #tpu.memory_space<vmem>>
      %dma_start3A_353 = tpu.memref_squeeze %dma_start3A_352 : memref<1x128x96xf32, #tpu.memory_space<vmem>> -> memref<128x96xf32, #tpu.memory_space<vmem>>
      %dma_start3A_354 = arith.constant 0 : i32
      %dma_start3A_355 = tpu.memref_slice %arg11[%add3A_268, %dma_start3A_354] : memref<40x128xi32, #tpu.memory_space<vmem>> -> memref<1x128xi32, #tpu.memory_space<vmem>>
      %dma_start3A_356 = tpu.memref_squeeze %dma_start3A_355 : memref<1x128xi32, #tpu.memory_space<vmem>> -> memref<128xi32, #tpu.memory_space<vmem>>
      %dma_start3A_357 = arith.constant 0 : i32
      %dma_start3A_358 = arith.constant 0 : i32
      %dma_start3A_359 = tpu.memref_slice %arg9[%dma_start3A_357, %dma_start3A_358] : memref<10112x96xf32, #tpu.memory_space<vmem_shared>> -> memref<10112x96xf32, #tpu.memory_space<vmem_shared>>
      tpu.enqueue_indirect_dma source(%dma_start3A_353 : memref<128x96xf32, #tpu.memory_space<vmem>>) target(%dma_start3A_359 : memref<10112x96xf32, #tpu.memory_space<vmem_shared>>) offsets(%dma_start3A_356 : memref<128xi32, #tpu.memory_space<vmem>>) semaphore(%arg21 : memref<!tpu.dma_semaphore, #tpu.memory_space<semaphore_mem>>) {add = true}
      scf.yield %parallel_loop3A_348#0, %parallel_loop3A_348#1, %parallel_loop3A_348#2, %parallel_loop3A_348#3, %parallel_loop3A_348#4, %parallel_loop3A_348#5, %parallel_loop3A_348#6, %parallel_loop3A_348#7, %parallel_loop3A_348#8, %parallel_loop3A_348#9, %parallel_loop3A_348#10, %parallel_loop3A_348#11 : vector<16xi32>, vector<16xi32>, vector<16xi32>, vector<16xi32>, vector<16xi32>, vector<16xi32>, vector<16xi32>, vector<16xi32>, vector<16xi32>, vector<16xi32>, vector<16xi32>, vector<16xi32>
    }
    %scan3A_137 = arith.constant 20 : i32
    %dma_wait3A = arith.constant 0 : i32
    %dma_wait3A_138 = arith.constant 38 : i32
    %dma_wait3A_139 = arith.constant 0 : i32
    %dma_wait3A_140 = arith.constant 0 : i32
    %dma_wait3A_141 = tpu.memref_slice %arg14[%dma_wait3A, %dma_wait3A_139, %dma_wait3A_140] : memref<2x128x96xf32, #tpu.memory_space<vmem>> -> memref<1x128x96xf32, #tpu.memory_space<vmem>>
    %dma_wait3A_142 = tpu.memref_squeeze %dma_wait3A_141 : memref<1x128x96xf32, #tpu.memory_space<vmem>> -> memref<128x96xf32, #tpu.memory_space<vmem>>
    %dma_wait3A_143 = arith.constant 0 : i32
    %dma_wait3A_144 = tpu.memref_slice %arg11[%dma_wait3A_138, %dma_wait3A_143] : memref<40x128xi32, #tpu.memory_space<vmem>> -> memref<1x128xi32, #tpu.memory_space<vmem>>
    %dma_wait3A_145 = tpu.memref_squeeze %dma_wait3A_144 : memref<1x128xi32, #tpu.memory_space<vmem>> -> memref<128xi32, #tpu.memory_space<vmem>>
    %dma_wait3A_146 = arith.constant 0 : i32
    %dma_wait3A_147 = arith.constant 0 : i32
    %dma_wait3A_148 = tpu.memref_slice %arg9[%dma_wait3A_146, %dma_wait3A_147] : memref<10112x96xf32, #tpu.memory_space<vmem_shared>> -> memref<10112x96xf32, #tpu.memory_space<vmem_shared>>
    tpu.wait_indirect_dma semaphore(%arg20 : memref<!tpu.dma_semaphore, #tpu.memory_space<semaphore_mem>>) src(%dma_wait3A_142 : memref<128x96xf32, #tpu.memory_space<vmem>>) dst(%dma_wait3A_148 : memref<10112x96xf32, #tpu.memory_space<vmem_shared>>)
    %dma_wait3A_149 = arith.constant 1 : i32
    %dma_wait3A_150 = arith.constant 39 : i32
    %dma_wait3A_151 = arith.constant 0 : i32
    %dma_wait3A_152 = arith.constant 0 : i32
    %dma_wait3A_153 = tpu.memref_slice %arg14[%dma_wait3A_149, %dma_wait3A_151, %dma_wait3A_152] : memref<2x128x96xf32, #tpu.memory_space<vmem>> -> memref<1x128x96xf32, #tpu.memory_space<vmem>>
    %dma_wait3A_154 = tpu.memref_squeeze %dma_wait3A_153 : memref<1x128x96xf32, #tpu.memory_space<vmem>> -> memref<128x96xf32, #tpu.memory_space<vmem>>
    %dma_wait3A_155 = arith.constant 0 : i32
    %dma_wait3A_156 = tpu.memref_slice %arg11[%dma_wait3A_150, %dma_wait3A_155] : memref<40x128xi32, #tpu.memory_space<vmem>> -> memref<1x128xi32, #tpu.memory_space<vmem>>
    %dma_wait3A_157 = tpu.memref_squeeze %dma_wait3A_156 : memref<1x128xi32, #tpu.memory_space<vmem>> -> memref<128xi32, #tpu.memory_space<vmem>>
    %dma_wait3A_158 = arith.constant 0 : i32
    %dma_wait3A_159 = arith.constant 0 : i32
    %dma_wait3A_160 = tpu.memref_slice %arg9[%dma_wait3A_158, %dma_wait3A_159] : memref<10112x96xf32, #tpu.memory_space<vmem_shared>> -> memref<10112x96xf32, #tpu.memory_space<vmem_shared>>
    tpu.wait_indirect_dma semaphore(%arg21 : memref<!tpu.dma_semaphore, #tpu.memory_space<semaphore_mem>>) src(%dma_wait3A_154 : memref<128x96xf32, #tpu.memory_space<vmem>>) dst(%dma_wait3A_160 : memref<10112x96xf32, #tpu.memory_space<vmem_shared>>)
    %barrier3A_161 = arith.constant 0 : index
    tpu.barrier barrier_id(%barrier3A_161)
    "tpu.region"() ({
      %run_scoped3A = tpu.sem_alloc : memref<!tpu.dma_semaphore, #tpu.memory_space<semaphore_mem>>
      %dma_start3A_162 = arith.constant 0 : i32
      %dma_start3A_163 = tpu.memref_slice %arg8[%arg0, %mul3A_2, %dma_start3A_162] : memref<2x10112x128xf32, #tpu.memory_space<hbm>> -> memref<1x632x96xf32, #tpu.memory_space<hbm>>
      %dma_start3A_164 = tpu.memref_squeeze %dma_start3A_163 : memref<1x632x96xf32, #tpu.memory_space<hbm>> -> memref<632x96xf32, #tpu.memory_space<hbm>>
      %dma_start3A_165 = arith.constant 0 : i32
      %dma_start3A_166 = tpu.memref_slice %arg9[%mul3A_2, %dma_start3A_165] : memref<10112x96xf32, #tpu.memory_space<vmem_shared>> -> memref<632x96xf32, #tpu.memory_space<vmem_shared>>
      tpu.enqueue_dma source(%dma_start3A_166 : memref<632x96xf32, #tpu.memory_space<vmem_shared>>) target(%dma_start3A_164 : memref<632x96xf32, #tpu.memory_space<hbm>>) target_semaphore(%run_scoped3A : memref<!tpu.dma_semaphore, #tpu.memory_space<semaphore_mem>>)
      %dma_wait3A_167 = arith.constant 0 : i32
      %dma_wait3A_168 = tpu.memref_slice %arg8[%arg0, %mul3A_2, %dma_wait3A_167] : memref<2x10112x128xf32, #tpu.memory_space<hbm>> -> memref<1x632x96xf32, #tpu.memory_space<hbm>>
      %dma_wait3A_169 = tpu.memref_squeeze %dma_wait3A_168 : memref<1x632x96xf32, #tpu.memory_space<hbm>> -> memref<632x96xf32, #tpu.memory_space<hbm>>
      %dma_wait3A_170 = arith.constant 0 : i32
      %dma_wait3A_171 = tpu.memref_slice %arg9[%mul3A_2, %dma_wait3A_170] : memref<10112x96xf32, #tpu.memory_space<vmem_shared>> -> memref<632x96xf32, #tpu.memory_space<vmem_shared>>
      tpu.wait_dma2 semaphore(%run_scoped3A : memref<!tpu.dma_semaphore, #tpu.memory_space<semaphore_mem>>) src(%dma_wait3A_171 : memref<632x96xf32, #tpu.memory_space<vmem_shared>>) dst(%dma_wait3A_169 : memref<632x96xf32, #tpu.memory_space<hbm>>)
      tpu.yield
    }) : () -> ()
    return
  }
}

module attributes {stable_mosaic.version = 14 : i64} {
  func.func @_tables_body(%arg0: memref<10000x10xf32, #tpu.memory_space<vmem>>, %arg1: memref<10000x10xf32, #tpu.memory_space<vmem>>, %arg2: memref<10x8xf32, #tpu.memory_space<vmem>>, %arg3: memref<10x8xf32, #tpu.memory_space<vmem>>, %arg4: memref<2x160000xi32, #tpu.memory_space<vmem>>, %arg5: memref<10112x24xf32, #tpu.memory_space<vmem>>, %arg6: memref<10112x16xf32, #tpu.memory_space<vmem>>, %arg7: memref<1280x128xi32, #tpu.memory_space<vmem>>, %arg8: memref<1280x128xi32, #tpu.memory_space<vmem>>) attributes {dimension_semantics = [], scalar_prefetch = 0 : i64, scratch_operands = 0 : i64, tpu.core_type = #tpu.core_type<tc>} {
    %get3A = arith.constant 0 : index
    %get3A_0 = arith.constant 0 : index
    %get3A_1 = vector.load %arg0[%get3A, %get3A_0] : memref<10000x10xf32, #tpu.memory_space<vmem>>, vector<10000x10xf32>
    %get3A_2 = arith.constant 0 : index
    %get3A_3 = arith.constant 0 : index
    %get3A_4 = vector.load %arg1[%get3A_2, %get3A_3] : memref<10000x10xf32, #tpu.memory_space<vmem>>, vector<10000x10xf32>
    %get3A_5 = arith.constant 0 : index
    %get3A_6 = arith.constant 0 : index
    %get3A_7 = vector.load %arg2[%get3A_5, %get3A_6] : memref<10x8xf32, #tpu.memory_space<vmem>>, vector<10x8xf32>
    %dot_general3A = arith.constant dense<0.000000e+00> : vector<10000x8xf32>
    %dot_general3A_8 = tpu.matmul %get3A_1, %get3A_7, %dot_general3A {dimension_numbers = #tpu.dot_dimension_numbers<[1], [0], [0], [1], [0, 0, 1, 1], [], []>, transpose_lhs_hint = false} : vector<10000x10xf32>, vector<10x8xf32>, vector<10000x8xf32> -> vector<10000x8xf32>
    %get3A_9 = arith.constant 0 : index
    %get3A_10 = arith.constant 0 : index
    %get3A_11 = vector.load %arg3[%get3A_9, %get3A_10] : memref<10x8xf32, #tpu.memory_space<vmem>>, vector<10x8xf32>
    %dot_general3A_12 = arith.constant dense<0.000000e+00> : vector<10000x8xf32>
    %dot_general3A_13 = tpu.matmul %get3A_4, %get3A_11, %dot_general3A_12 {dimension_numbers = #tpu.dot_dimension_numbers<[1], [0], [0], [1], [0, 0, 1, 1], [], []>, transpose_lhs_hint = false} : vector<10000x10xf32>, vector<10x8xf32>, vector<10000x8xf32> -> vector<10000x8xf32>
    %broadcast_in_dim3A = arith.constant 0.000000e+00 : f32
    %broadcast_in_dim3A_14 = vector.broadcast %broadcast_in_dim3A : f32 to vector<10000x8xf32>
    %broadcast_in_dim3A_15 = arith.constant 0.000000e+00 : f32
    %broadcast_in_dim3A_16 = vector.broadcast %broadcast_in_dim3A_15 : f32 to vector<10000x5xf32>
    %broadcast_in_dim3A_17 = arith.constant 1.000000e+00 : f32
    %broadcast_in_dim3A_18 = vector.broadcast %broadcast_in_dim3A_17 : f32 to vector<10000x1xf32>
    %concatenate3A = tpu.concatenate %dot_general3A_8, %get3A_1, %broadcast_in_dim3A_16, %broadcast_in_dim3A_18 in 1 : vector<10000x8xf32>, vector<10000x10xf32>, vector<10000x5xf32>, vector<10000x1xf32> -> vector<10000x24xf32>
    %swap3A = arith.constant 0 : index
    %swap3A_19 = arith.constant 0 : index
    %swap3A_20 = vector.load %arg5[%swap3A, %swap3A_19] : memref<10112x24xf32, #tpu.memory_space<vmem>>, vector<10000x24xf32>
    tpu.vector_store %arg5[%swap3A, %swap3A_19], %concatenate3A {strides = array<i32>} : memref<10112x24xf32, #tpu.memory_space<vmem>>, vector<10000x24xf32>,
    %broadcast_in_dim3A_21 = arith.constant 0.000000e+00 : f32
    %broadcast_in_dim3A_22 = vector.broadcast %broadcast_in_dim3A_21 : f32 to vector<112x24xf32>
    %swap3A_23 = arith.constant 10000 : index
    %swap3A_24 = arith.constant 0 : index
    %swap3A_25 = vector.load %arg5[%swap3A_23, %swap3A_24] : memref<10112x24xf32, #tpu.memory_space<vmem>>, vector<112x24xf32>
    tpu.vector_store %arg5[%swap3A_23, %swap3A_24], %broadcast_in_dim3A_22 {strides = array<i32>} : memref<10112x24xf32, #tpu.memory_space<vmem>>, vector<112x24xf32>,
    %concatenate3A_26 = tpu.concatenate %dot_general3A_13, %broadcast_in_dim3A_14 in 1 : vector<10000x8xf32>, vector<10000x8xf32> -> vector<10000x16xf32>
    %swap3A_27 = arith.constant 0 : index
    %swap3A_28 = arith.constant 0 : index
    %swap3A_29 = vector.load %arg6[%swap3A_27, %swap3A_28] : memref<10112x16xf32, #tpu.memory_space<vmem>>, vector<10000x16xf32>
    tpu.vector_store %arg6[%swap3A_27, %swap3A_28], %concatenate3A_26 {strides = array<i32>} : memref<10112x16xf32, #tpu.memory_space<vmem>>, vector<10000x16xf32>,
    %broadcast_in_dim3A_30 = arith.constant 0.000000e+00 : f32
    %broadcast_in_dim3A_31 = vector.broadcast %broadcast_in_dim3A_30 : f32 to vector<112x16xf32>
    %swap3A_32 = arith.constant 10000 : index
    %swap3A_33 = arith.constant 0 : index
    %swap3A_34 = vector.load %arg6[%swap3A_32, %swap3A_33] : memref<10112x16xf32, #tpu.memory_space<vmem>>, vector<112x16xf32>
    tpu.vector_store %arg6[%swap3A_32, %swap3A_33], %broadcast_in_dim3A_31 {strides = array<i32>} : memref<10112x16xf32, #tpu.memory_space<vmem>>, vector<112x16xf32>,
    %get3A_35 = arith.constant 0 : index
    %get3A_36 = arith.constant 0 : index
    %get3A_37 = vector.load %arg4[%get3A_35, %get3A_36] : memref<2x160000xi32, #tpu.memory_space<vmem>>, vector<1x160000xi32>
    %get3A_38 = vector.shape_cast %get3A_37 : vector<1x160000xi32> to vector<160000xi32>
    %broadcast_in_dim3A_39 = arith.constant 0 : i32
    %broadcast_in_dim3A_40 = vector.broadcast %broadcast_in_dim3A_39 : i32 to vector<3840xi32>
    %concatenate3A_41 = tpu.concatenate %get3A_38, %broadcast_in_dim3A_40 in 0 : vector<160000xi32>, vector<3840xi32> -> vector<163840xi32>
    %get3A_42 = arith.constant 1 : index
    %get3A_43 = arith.constant 0 : index
    %get3A_44 = vector.load %arg4[%get3A_42, %get3A_43] : memref<2x160000xi32, #tpu.memory_space<vmem>>, vector<1x160000xi32>
    %get3A_45 = vector.shape_cast %get3A_44 : vector<1x160000xi32> to vector<160000xi32>
    %broadcast_in_dim3A_46 = arith.constant 10111 : i32
    %broadcast_in_dim3A_47 = vector.broadcast %broadcast_in_dim3A_46 : i32 to vector<3840xi32>
    %concatenate3A_48 = tpu.concatenate %get3A_45, %broadcast_in_dim3A_47 in 0 : vector<160000xi32>, vector<3840xi32> -> vector<163840xi32>
    %reshape3A = vector.shape_cast %concatenate3A_41 : vector<163840xi32> to vector<1280x128xi32>
    %swap3A_49 = arith.constant 0 : index
    %swap3A_50 = arith.constant 0 : index
    %swap3A_51 = vector.load %arg7[%swap3A_49, %swap3A_50] : memref<1280x128xi32, #tpu.memory_space<vmem>>, vector<1280x128xi32>
    tpu.vector_store %arg7[%swap3A_49, %swap3A_50], %reshape3A {strides = array<i32>} : memref<1280x128xi32, #tpu.memory_space<vmem>>, vector<1280x128xi32>,
    %reshape3A_52 = vector.shape_cast %concatenate3A_48 : vector<163840xi32> to vector<1280x128xi32>
    %swap3A_53 = arith.constant 0 : index
    %swap3A_54 = arith.constant 0 : index
    %swap3A_55 = vector.load %arg8[%swap3A_53, %swap3A_54] : memref<1280x128xi32, #tpu.memory_space<vmem>>, vector<1280x128xi32>
    tpu.vector_store %arg8[%swap3A_53, %swap3A_54], %reshape3A_52 {strides = array<i32>} : memref<1280x128xi32, #tpu.memory_space<vmem>>, vector<1280x128xi32>,
    return
  }
}

module attributes {stable_mosaic.version = 14 : i64} {
  func.func @_finish_body(%arg0: i32, %arg1: memref<2x2048x128xf32, #tpu.memory_space<vmem>>, %arg2: memref<8x64x10xf32, #tpu.memory_space<vmem>>, %arg3: memref<8x64xf32, #tpu.memory_space<vmem>>, %arg4: memref<8x64x2048xf32, #tpu.memory_space<vmem>>) attributes {dimension_semantics = [#tpu.dimension_semantics<arbitrary>], iteration_bounds = array<i64: 5>, scalar_prefetch = 0 : i64, scratch_operands = 0 : i64, tpu.core_type = #tpu.core_type<tc>, window_params = [{transform_indices = @transform_0, window_bounds = array<i64: 2, 2048, 128>}, {pipeline_mode = #tpu.pipeline_mode<synchronous>, transform_indices = @transform_1, window_bounds = array<i64: 8, 64, 10>}, {pipeline_mode = #tpu.pipeline_mode<synchronous>, transform_indices = @transform_2, window_bounds = array<i64: 8, 64>}, {transform_indices = @transform_3, window_bounds = array<i64: 8, 64, 2048>}]} {
    %get3A = arith.constant 0 : index
    %get3A_0 = arith.constant 0 : index
    %get3A_1 = arith.constant 0 : index
    %get3A_2 = vector.load %arg1[%get3A, %get3A_0, %get3A_1] : memref<2x2048x128xf32, #tpu.memory_space<vmem>>, vector<1x2048x128xf32>
    %get3A_3 = vector.shape_cast %get3A_2 : vector<1x2048x128xf32> to vector<2048x128xf32>
    %get3A_4 = arith.constant 1 : index
    %get3A_5 = arith.constant 0 : index
    %get3A_6 = arith.constant 0 : index
    %get3A_7 = vector.load %arg1[%get3A_4, %get3A_5, %get3A_6] : memref<2x2048x128xf32, #tpu.memory_space<vmem>>, vector<1x2048x128xf32>
    %get3A_8 = vector.shape_cast %get3A_7 : vector<1x2048x128xf32> to vector<2048x128xf32>
    %add3A = arith.addf %get3A_3, %get3A_8 : vector<2048x128xf32>
    %transpose3A = tpu.transpose %add3A, [1, 0] : vector<2048x128xf32> -> vector<128x2048xf32>
    %slice3A = vector.extract_strided_slice %transpose3A {offsets = [0, 0], sizes = [8, 2048], strides = [1, 1]} : vector<128x2048xf32> to vector<8x2048xf32>
    %gt3A = arith.constant 0.000000e+00 : f32
    %gt3A_9 = vector.broadcast %gt3A : f32 to vector<8x2048xf32>
    %gt3A_10 = arith.cmpf ogt, %slice3A, %gt3A_9 : vector<8x2048xf32>
    %jit3A = arith.constant 1.000000e+00 : f32
    %broadcast_in_dim3A = vector.broadcast %jit3A : f32 to vector<8x2048xf32>
    %select_n3A = arith.select %gt3A_10, %slice3A, %broadcast_in_dim3A : vector<8x2048xi1>, vector<8x2048xf32>
    %div3A = arith.constant 1.000000e+00 : f32
    %div3A_11 = vector.broadcast %div3A : f32 to vector<8x2048xf32>
    %div3A_12 = arith.divf %div3A_11, %select_n3A : vector<8x2048xf32>
    %slice3A_13 = vector.extract_strided_slice %transpose3A {offsets = [8, 0], sizes = [10, 2048], strides = [1, 1]} : vector<128x2048xf32> to vector<10x2048xf32>
    %slice3A_14 = vector.extract_strided_slice %div3A_12 {offsets = [0, 0], sizes = [1, 2048], strides = [1, 1]} : vector<8x2048xf32> to vector<1x2048xf32>
    %mul3A = vector.broadcast %slice3A_14 : vector<1x2048xf32> to vector<10x2048xf32>
    %mul3A_15 = arith.mulf %slice3A_13, %mul3A : vector<10x2048xf32>
    %get3A_16 = arith.constant 0 : index
    %get3A_17 = arith.constant 0 : index
    %get3A_18 = arith.constant 0 : index
    %get3A_19 = vector.load %arg2[%get3A_16, %get3A_17, %get3A_18] : memref<8x64x10xf32, #tpu.memory_space<vmem>>, vector<1x64x10xf32>
    %get3A_20 = vector.shape_cast %get3A_19 : vector<1x64x10xf32> to vector<64x10xf32>
    %dot_general3A = arith.constant dense<0.000000e+00> : vector<64x2048xf32>
    %dot_general3A_21 = tpu.matmul %get3A_20, %mul3A_15, %dot_general3A {dimension_numbers = #tpu.dot_dimension_numbers<[1], [0], [0], [1], [0, 0, 1, 1], [], []>, transpose_lhs_hint = false} : vector<64x10xf32>, vector<10x2048xf32>, vector<64x2048xf32> -> vector<64x2048xf32>
    %get3A_22 = arith.constant 0 : index
    %get3A_23 = arith.constant 0 : index
    %get3A_24 = vector.load %arg3[%get3A_22, %get3A_23] : memref<8x64xf32, #tpu.memory_space<vmem>>, vector<1x64xf32>
    %get3A_25 = vector.shape_cast %get3A_24 : vector<1x64xf32> to vector<64xf32>
    %broadcast_in_dim3A_26 = vector.shape_cast %get3A_25 : vector<64xf32> to vector<64x1xf32>
    %add3A_27 = vector.broadcast %broadcast_in_dim3A_26 : vector<64x1xf32> to vector<64x2048xf32>
    %add3A_28 = arith.addf %dot_general3A_21, %add3A_27 : vector<64x2048xf32>
    %swap3A = arith.constant 0 : index
    %swap3A_29 = arith.constant 0 : index
    %swap3A_30 = arith.constant 0 : index
    %swap3A_31 = vector.load %arg4[%swap3A, %swap3A_29, %swap3A_30] : memref<8x64x2048xf32, #tpu.memory_space<vmem>>, vector<1x64x2048xf32>
    %swap3A_32 = vector.shape_cast %swap3A_31 : vector<1x64x2048xf32> to vector<64x2048xf32>
    %swap3A_33 = vector.shape_cast %add3A_28 : vector<64x2048xf32> to vector<1x64x2048xf32>
    tpu.vector_store %arg4[%swap3A, %swap3A_29, %swap3A_30], %swap3A_33 {strides = array<i32>} : memref<8x64x2048xf32, #tpu.memory_space<vmem>>, vector<1x64x2048xf32>,
    %slice3A_34 = vector.extract_strided_slice %transpose3A {offsets = [18, 0], sizes = [10, 2048], strides = [1, 1]} : vector<128x2048xf32> to vector<10x2048xf32>
    %slice3A_35 = vector.extract_strided_slice %div3A_12 {offsets = [1, 0], sizes = [1, 2048], strides = [1, 1]} : vector<8x2048xf32> to vector<1x2048xf32>
    %mul3A_36 = vector.broadcast %slice3A_35 : vector<1x2048xf32> to vector<10x2048xf32>
    %mul3A_37 = arith.mulf %slice3A_34, %mul3A_36 : vector<10x2048xf32>
    %get3A_38 = arith.constant 1 : index
    %get3A_39 = arith.constant 0 : index
    %get3A_40 = arith.constant 0 : index
    %get3A_41 = vector.load %arg2[%get3A_38, %get3A_39, %get3A_40] : memref<8x64x10xf32, #tpu.memory_space<vmem>>, vector<1x64x10xf32>
    %get3A_42 = vector.shape_cast %get3A_41 : vector<1x64x10xf32> to vector<64x10xf32>
    %dot_general3A_43 = arith.constant dense<0.000000e+00> : vector<64x2048xf32>
    %dot_general3A_44 = tpu.matmul %get3A_42, %mul3A_37, %dot_general3A_43 {dimension_numbers = #tpu.dot_dimension_numbers<[1], [0], [0], [1], [0, 0, 1, 1], [], []>, transpose_lhs_hint = false} : vector<64x10xf32>, vector<10x2048xf32>, vector<64x2048xf32> -> vector<64x2048xf32>
    %get3A_45 = arith.constant 1 : index
    %get3A_46 = arith.constant 0 : index
    %get3A_47 = vector.load %arg3[%get3A_45, %get3A_46] : memref<8x64xf32, #tpu.memory_space<vmem>>, vector<1x64xf32>
    %get3A_48 = vector.shape_cast %get3A_47 : vector<1x64xf32> to vector<64xf32>
    %broadcast_in_dim3A_49 = vector.shape_cast %get3A_48 : vector<64xf32> to vector<64x1xf32>
    %add3A_50 = vector.broadcast %broadcast_in_dim3A_49 : vector<64x1xf32> to vector<64x2048xf32>
    %add3A_51 = arith.addf %dot_general3A_44, %add3A_50 : vector<64x2048xf32>
    %swap3A_52 = arith.constant 1 : index
    %swap3A_53 = arith.constant 0 : index
    %swap3A_54 = arith.constant 0 : index
    %swap3A_55 = vector.load %arg4[%swap3A_52, %swap3A_53, %swap3A_54] : memref<8x64x2048xf32, #tpu.memory_space<vmem>>, vector<1x64x2048xf32>
    %swap3A_56 = vector.shape_cast %swap3A_55 : vector<1x64x2048xf32> to vector<64x2048xf32>
    %swap3A_57 = vector.shape_cast %add3A_51 : vector<64x2048xf32> to vector<1x64x2048xf32>
    tpu.vector_store %arg4[%swap3A_52, %swap3A_53, %swap3A_54], %swap3A_57 {strides = array<i32>} : memref<8x64x2048xf32, #tpu.memory_space<vmem>>, vector<1x64x2048xf32>,
    %slice3A_58 = vector.extract_strided_slice %transpose3A {offsets = [28, 0], sizes = [10, 2048], strides = [1, 1]} : vector<128x2048xf32> to vector<10x2048xf32>
    %slice3A_59 = vector.extract_strided_slice %div3A_12 {offsets = [2, 0], sizes = [1, 2048], strides = [1, 1]} : vector<8x2048xf32> to vector<1x2048xf32>
    %mul3A_60 = vector.broadcast %slice3A_59 : vector<1x2048xf32> to vector<10x2048xf32>
    %mul3A_61 = arith.mulf %slice3A_58, %mul3A_60 : vector<10x2048xf32>
    %get3A_62 = arith.constant 2 : index
    %get3A_63 = arith.constant 0 : index
    %get3A_64 = arith.constant 0 : index
    %get3A_65 = vector.load %arg2[%get3A_62, %get3A_63, %get3A_64] : memref<8x64x10xf32, #tpu.memory_space<vmem>>, vector<1x64x10xf32>
    %get3A_66 = vector.shape_cast %get3A_65 : vector<1x64x10xf32> to vector<64x10xf32>
    %dot_general3A_67 = arith.constant dense<0.000000e+00> : vector<64x2048xf32>
    %dot_general3A_68 = tpu.matmul %get3A_66, %mul3A_61, %dot_general3A_67 {dimension_numbers = #tpu.dot_dimension_numbers<[1], [0], [0], [1], [0, 0, 1, 1], [], []>, transpose_lhs_hint = false} : vector<64x10xf32>, vector<10x2048xf32>, vector<64x2048xf32> -> vector<64x2048xf32>
    %get3A_69 = arith.constant 2 : index
    %get3A_70 = arith.constant 0 : index
    %get3A_71 = vector.load %arg3[%get3A_69, %get3A_70] : memref<8x64xf32, #tpu.memory_space<vmem>>, vector<1x64xf32>
    %get3A_72 = vector.shape_cast %get3A_71 : vector<1x64xf32> to vector<64xf32>
    %broadcast_in_dim3A_73 = vector.shape_cast %get3A_72 : vector<64xf32> to vector<64x1xf32>
    %add3A_74 = vector.broadcast %broadcast_in_dim3A_73 : vector<64x1xf32> to vector<64x2048xf32>
    %add3A_75 = arith.addf %dot_general3A_68, %add3A_74 : vector<64x2048xf32>
    %swap3A_76 = arith.constant 2 : index
    %swap3A_77 = arith.constant 0 : index
    %swap3A_78 = arith.constant 0 : index
    %swap3A_79 = vector.load %arg4[%swap3A_76, %swap3A_77, %swap3A_78] : memref<8x64x2048xf32, #tpu.memory_space<vmem>>, vector<1x64x2048xf32>
    %swap3A_80 = vector.shape_cast %swap3A_79 : vector<1x64x2048xf32> to vector<64x2048xf32>
    %swap3A_81 = vector.shape_cast %add3A_75 : vector<64x2048xf32> to vector<1x64x2048xf32>
    tpu.vector_store %arg4[%swap3A_76, %swap3A_77, %swap3A_78], %swap3A_81 {strides = array<i32>} : memref<8x64x2048xf32, #tpu.memory_space<vmem>>, vector<1x64x2048xf32>,
    %slice3A_82 = vector.extract_strided_slice %transpose3A {offsets = [38, 0], sizes = [10, 2048], strides = [1, 1]} : vector<128x2048xf32> to vector<10x2048xf32>
    %slice3A_83 = vector.extract_strided_slice %div3A_12 {offsets = [3, 0], sizes = [1, 2048], strides = [1, 1]} : vector<8x2048xf32> to vector<1x2048xf32>
    %mul3A_84 = vector.broadcast %slice3A_83 : vector<1x2048xf32> to vector<10x2048xf32>
    %mul3A_85 = arith.mulf %slice3A_82, %mul3A_84 : vector<10x2048xf32>
    %get3A_86 = arith.constant 3 : index
    %get3A_87 = arith.constant 0 : index
    %get3A_88 = arith.constant 0 : index
    %get3A_89 = vector.load %arg2[%get3A_86, %get3A_87, %get3A_88] : memref<8x64x10xf32, #tpu.memory_space<vmem>>, vector<1x64x10xf32>
    %get3A_90 = vector.shape_cast %get3A_89 : vector<1x64x10xf32> to vector<64x10xf32>
    %dot_general3A_91 = arith.constant dense<0.000000e+00> : vector<64x2048xf32>
    %dot_general3A_92 = tpu.matmul %get3A_90, %mul3A_85, %dot_general3A_91 {dimension_numbers = #tpu.dot_dimension_numbers<[1], [0], [0], [1], [0, 0, 1, 1], [], []>, transpose_lhs_hint = false} : vector<64x10xf32>, vector<10x2048xf32>, vector<64x2048xf32> -> vector<64x2048xf32>
    %get3A_93 = arith.constant 3 : index
    %get3A_94 = arith.constant 0 : index
    %get3A_95 = vector.load %arg3[%get3A_93, %get3A_94] : memref<8x64xf32, #tpu.memory_space<vmem>>, vector<1x64xf32>
    %get3A_96 = vector.shape_cast %get3A_95 : vector<1x64xf32> to vector<64xf32>
    %broadcast_in_dim3A_97 = vector.shape_cast %get3A_96 : vector<64xf32> to vector<64x1xf32>
    %add3A_98 = vector.broadcast %broadcast_in_dim3A_97 : vector<64x1xf32> to vector<64x2048xf32>
    %add3A_99 = arith.addf %dot_general3A_92, %add3A_98 : vector<64x2048xf32>
    %swap3A_100 = arith.constant 3 : index
    %swap3A_101 = arith.constant 0 : index
    %swap3A_102 = arith.constant 0 : index
    %swap3A_103 = vector.load %arg4[%swap3A_100, %swap3A_101, %swap3A_102] : memref<8x64x2048xf32, #tpu.memory_space<vmem>>, vector<1x64x2048xf32>
    %swap3A_104 = vector.shape_cast %swap3A_103 : vector<1x64x2048xf32> to vector<64x2048xf32>
    %swap3A_105 = vector.shape_cast %add3A_99 : vector<64x2048xf32> to vector<1x64x2048xf32>
    tpu.vector_store %arg4[%swap3A_100, %swap3A_101, %swap3A_102], %swap3A_105 {strides = array<i32>} : memref<8x64x2048xf32, #tpu.memory_space<vmem>>, vector<1x64x2048xf32>,
    %slice3A_106 = vector.extract_strided_slice %transpose3A {offsets = [48, 0], sizes = [10, 2048], strides = [1, 1]} : vector<128x2048xf32> to vector<10x2048xf32>
    %slice3A_107 = vector.extract_strided_slice %div3A_12 {offsets = [4, 0], sizes = [1, 2048], strides = [1, 1]} : vector<8x2048xf32> to vector<1x2048xf32>
    %mul3A_108 = vector.broadcast %slice3A_107 : vector<1x2048xf32> to vector<10x2048xf32>
    %mul3A_109 = arith.mulf %slice3A_106, %mul3A_108 : vector<10x2048xf32>
    %get3A_110 = arith.constant 4 : index
    %get3A_111 = arith.constant 0 : index
    %get3A_112 = arith.constant 0 : index
    %get3A_113 = vector.load %arg2[%get3A_110, %get3A_111, %get3A_112] : memref<8x64x10xf32, #tpu.memory_space<vmem>>, vector<1x64x10xf32>
    %get3A_114 = vector.shape_cast %get3A_113 : vector<1x64x10xf32> to vector<64x10xf32>
    %dot_general3A_115 = arith.constant dense<0.000000e+00> : vector<64x2048xf32>
    %dot_general3A_116 = tpu.matmul %get3A_114, %mul3A_109, %dot_general3A_115 {dimension_numbers = #tpu.dot_dimension_numbers<[1], [0], [0], [1], [0, 0, 1, 1], [], []>, transpose_lhs_hint = false} : vector<64x10xf32>, vector<10x2048xf32>, vector<64x2048xf32> -> vector<64x2048xf32>
    %get3A_117 = arith.constant 4 : index
    %get3A_118 = arith.constant 0 : index
    %get3A_119 = vector.load %arg3[%get3A_117, %get3A_118] : memref<8x64xf32, #tpu.memory_space<vmem>>, vector<1x64xf32>
    %get3A_120 = vector.shape_cast %get3A_119 : vector<1x64xf32> to vector<64xf32>
    %broadcast_in_dim3A_121 = vector.shape_cast %get3A_120 : vector<64xf32> to vector<64x1xf32>
    %add3A_122 = vector.broadcast %broadcast_in_dim3A_121 : vector<64x1xf32> to vector<64x2048xf32>
    %add3A_123 = arith.addf %dot_general3A_116, %add3A_122 : vector<64x2048xf32>
    %swap3A_124 = arith.constant 4 : index
    %swap3A_125 = arith.constant 0 : index
    %swap3A_126 = arith.constant 0 : index
    %swap3A_127 = vector.load %arg4[%swap3A_124, %swap3A_125, %swap3A_126] : memref<8x64x2048xf32, #tpu.memory_space<vmem>>, vector<1x64x2048xf32>
    %swap3A_128 = vector.shape_cast %swap3A_127 : vector<1x64x2048xf32> to vector<64x2048xf32>
    %swap3A_129 = vector.shape_cast %add3A_123 : vector<64x2048xf32> to vector<1x64x2048xf32>
    tpu.vector_store %arg4[%swap3A_124, %swap3A_125, %swap3A_126], %swap3A_129 {strides = array<i32>} : memref<8x64x2048xf32, #tpu.memory_space<vmem>>, vector<1x64x2048xf32>,
    %slice3A_130 = vector.extract_strided_slice %transpose3A {offsets = [58, 0], sizes = [10, 2048], strides = [1, 1]} : vector<128x2048xf32> to vector<10x2048xf32>
    %slice3A_131 = vector.extract_strided_slice %div3A_12 {offsets = [5, 0], sizes = [1, 2048], strides = [1, 1]} : vector<8x2048xf32> to vector<1x2048xf32>
    %mul3A_132 = vector.broadcast %slice3A_131 : vector<1x2048xf32> to vector<10x2048xf32>
    %mul3A_133 = arith.mulf %slice3A_130, %mul3A_132 : vector<10x2048xf32>
    %get3A_134 = arith.constant 5 : index
    %get3A_135 = arith.constant 0 : index
    %get3A_136 = arith.constant 0 : index
    %get3A_137 = vector.load %arg2[%get3A_134, %get3A_135, %get3A_136] : memref<8x64x10xf32, #tpu.memory_space<vmem>>, vector<1x64x10xf32>
    %get3A_138 = vector.shape_cast %get3A_137 : vector<1x64x10xf32> to vector<64x10xf32>
    %dot_general3A_139 = arith.constant dense<0.000000e+00> : vector<64x2048xf32>
    %dot_general3A_140 = tpu.matmul %get3A_138, %mul3A_133, %dot_general3A_139 {dimension_numbers = #tpu.dot_dimension_numbers<[1], [0], [0], [1], [0, 0, 1, 1], [], []>, transpose_lhs_hint = false} : vector<64x10xf32>, vector<10x2048xf32>, vector<64x2048xf32> -> vector<64x2048xf32>
    %get3A_141 = arith.constant 5 : index
    %get3A_142 = arith.constant 0 : index
    %get3A_143 = vector.load %arg3[%get3A_141, %get3A_142] : memref<8x64xf32, #tpu.memory_space<vmem>>, vector<1x64xf32>
    %get3A_144 = vector.shape_cast %get3A_143 : vector<1x64xf32> to vector<64xf32>
    %broadcast_in_dim3A_145 = vector.shape_cast %get3A_144 : vector<64xf32> to vector<64x1xf32>
    %add3A_146 = vector.broadcast %broadcast_in_dim3A_145 : vector<64x1xf32> to vector<64x2048xf32>
    %add3A_147 = arith.addf %dot_general3A_140, %add3A_146 : vector<64x2048xf32>
    %swap3A_148 = arith.constant 5 : index
    %swap3A_149 = arith.constant 0 : index
    %swap3A_150 = arith.constant 0 : index
    %swap3A_151 = vector.load %arg4[%swap3A_148, %swap3A_149, %swap3A_150] : memref<8x64x2048xf32, #tpu.memory_space<vmem>>, vector<1x64x2048xf32>
    %swap3A_152 = vector.shape_cast %swap3A_151 : vector<1x64x2048xf32> to vector<64x2048xf32>
    %swap3A_153 = vector.shape_cast %add3A_147 : vector<64x2048xf32> to vector<1x64x2048xf32>
    tpu.vector_store %arg4[%swap3A_148, %swap3A_149, %swap3A_150], %swap3A_153 {strides = array<i32>} : memref<8x64x2048xf32, #tpu.memory_space<vmem>>, vector<1x64x2048xf32>,
    %slice3A_154 = vector.extract_strided_slice %transpose3A {offsets = [68, 0], sizes = [10, 2048], strides = [1, 1]} : vector<128x2048xf32> to vector<10x2048xf32>
    %slice3A_155 = vector.extract_strided_slice %div3A_12 {offsets = [6, 0], sizes = [1, 2048], strides = [1, 1]} : vector<8x2048xf32> to vector<1x2048xf32>
    %mul3A_156 = vector.broadcast %slice3A_155 : vector<1x2048xf32> to vector<10x2048xf32>
    %mul3A_157 = arith.mulf %slice3A_154, %mul3A_156 : vector<10x2048xf32>
    %get3A_158 = arith.constant 6 : index
    %get3A_159 = arith.constant 0 : index
    %get3A_160 = arith.constant 0 : index
    %get3A_161 = vector.load %arg2[%get3A_158, %get3A_159, %get3A_160] : memref<8x64x10xf32, #tpu.memory_space<vmem>>, vector<1x64x10xf32>
    %get3A_162 = vector.shape_cast %get3A_161 : vector<1x64x10xf32> to vector<64x10xf32>
    %dot_general3A_163 = arith.constant dense<0.000000e+00> : vector<64x2048xf32>
    %dot_general3A_164 = tpu.matmul %get3A_162, %mul3A_157, %dot_general3A_163 {dimension_numbers = #tpu.dot_dimension_numbers<[1], [0], [0], [1], [0, 0, 1, 1], [], []>, transpose_lhs_hint = false} : vector<64x10xf32>, vector<10x2048xf32>, vector<64x2048xf32> -> vector<64x2048xf32>
    %get3A_165 = arith.constant 6 : index
    %get3A_166 = arith.constant 0 : index
    %get3A_167 = vector.load %arg3[%get3A_165, %get3A_166] : memref<8x64xf32, #tpu.memory_space<vmem>>, vector<1x64xf32>
    %get3A_168 = vector.shape_cast %get3A_167 : vector<1x64xf32> to vector<64xf32>
    %broadcast_in_dim3A_169 = vector.shape_cast %get3A_168 : vector<64xf32> to vector<64x1xf32>
    %add3A_170 = vector.broadcast %broadcast_in_dim3A_169 : vector<64x1xf32> to vector<64x2048xf32>
    %add3A_171 = arith.addf %dot_general3A_164, %add3A_170 : vector<64x2048xf32>
    %swap3A_172 = arith.constant 6 : index
    %swap3A_173 = arith.constant 0 : index
    %swap3A_174 = arith.constant 0 : index
    %swap3A_175 = vector.load %arg4[%swap3A_172, %swap3A_173, %swap3A_174] : memref<8x64x2048xf32, #tpu.memory_space<vmem>>, vector<1x64x2048xf32>
    %swap3A_176 = vector.shape_cast %swap3A_175 : vector<1x64x2048xf32> to vector<64x2048xf32>
    %swap3A_177 = vector.shape_cast %add3A_171 : vector<64x2048xf32> to vector<1x64x2048xf32>
    tpu.vector_store %arg4[%swap3A_172, %swap3A_173, %swap3A_174], %swap3A_177 {strides = array<i32>} : memref<8x64x2048xf32, #tpu.memory_space<vmem>>, vector<1x64x2048xf32>,
    %slice3A_178 = vector.extract_strided_slice %transpose3A {offsets = [78, 0], sizes = [10, 2048], strides = [1, 1]} : vector<128x2048xf32> to vector<10x2048xf32>
    %slice3A_179 = vector.extract_strided_slice %div3A_12 {offsets = [7, 0], sizes = [1, 2048], strides = [1, 1]} : vector<8x2048xf32> to vector<1x2048xf32>
    %mul3A_180 = vector.broadcast %slice3A_179 : vector<1x2048xf32> to vector<10x2048xf32>
    %mul3A_181 = arith.mulf %slice3A_178, %mul3A_180 : vector<10x2048xf32>
    %get3A_182 = arith.constant 7 : index
    %get3A_183 = arith.constant 0 : index
    %get3A_184 = arith.constant 0 : index
    %get3A_185 = vector.load %arg2[%get3A_182, %get3A_183, %get3A_184] : memref<8x64x10xf32, #tpu.memory_space<vmem>>, vector<1x64x10xf32>
    %get3A_186 = vector.shape_cast %get3A_185 : vector<1x64x10xf32> to vector<64x10xf32>
    %dot_general3A_187 = arith.constant dense<0.000000e+00> : vector<64x2048xf32>
    %dot_general3A_188 = tpu.matmul %get3A_186, %mul3A_181, %dot_general3A_187 {dimension_numbers = #tpu.dot_dimension_numbers<[1], [0], [0], [1], [0, 0, 1, 1], [], []>, transpose_lhs_hint = false} : vector<64x10xf32>, vector<10x2048xf32>, vector<64x2048xf32> -> vector<64x2048xf32>
    %get3A_189 = arith.constant 7 : index
    %get3A_190 = arith.constant 0 : index
    %get3A_191 = vector.load %arg3[%get3A_189, %get3A_190] : memref<8x64xf32, #tpu.memory_space<vmem>>, vector<1x64xf32>
    %get3A_192 = vector.shape_cast %get3A_191 : vector<1x64xf32> to vector<64xf32>
    %broadcast_in_dim3A_193 = vector.shape_cast %get3A_192 : vector<64xf32> to vector<64x1xf32>
    %add3A_194 = vector.broadcast %broadcast_in_dim3A_193 : vector<64x1xf32> to vector<64x2048xf32>
    %add3A_195 = arith.addf %dot_general3A_188, %add3A_194 : vector<64x2048xf32>
    %swap3A_196 = arith.constant 7 : index
    %swap3A_197 = arith.constant 0 : index
    %swap3A_198 = arith.constant 0 : index
    %swap3A_199 = vector.load %arg4[%swap3A_196, %swap3A_197, %swap3A_198] : memref<8x64x2048xf32, #tpu.memory_space<vmem>>, vector<1x64x2048xf32>
    %swap3A_200 = vector.shape_cast %swap3A_199 : vector<1x64x2048xf32> to vector<64x2048xf32>
    %swap3A_201 = vector.shape_cast %add3A_195 : vector<64x2048xf32> to vector<1x64x2048xf32>
    tpu.vector_store %arg4[%swap3A_196, %swap3A_197, %swap3A_198], %swap3A_201 {strides = array<i32>} : memref<8x64x2048xf32, #tpu.memory_space<vmem>>, vector<1x64x2048xf32>,
    return
  }
  func.func @transform_0(%arg0: i32) -> (i32, i32, i32) {
    %c0_i32 = arith.constant 0 : i32
    %c0_i32_0 = arith.constant 0 : i32
    %c0_i32_1 = arith.constant 0 : i32
    return %c0_i32, %arg0, %c0_i32_0 : i32, i32, i32
  }
  func.func @transform_1(%arg0: i32) -> (i32, i32, i32) {
    %c0_i32 = arith.constant 0 : i32
    %c0_i32_0 = arith.constant 0 : i32
    %c0_i32_1 = arith.constant 0 : i32
    %c0_i32_2 = arith.constant 0 : i32
    return %c0_i32, %c0_i32_0, %c0_i32_1 : i32, i32, i32
  }
  func.func @transform_2(%arg0: i32) -> (i32, i32) {
    %c0_i32 = arith.constant 0 : i32
    %c0_i32_0 = arith.constant 0 : i32
    %c0_i32_1 = arith.constant 0 : i32
    return %c0_i32, %c0_i32_0 : i32, i32
  }
  func.func @transform_3(%arg0: i32) -> (i32, i32, i32) {
    %c0_i32 = arith.constant 0 : i32
    %c0_i32_0 = arith.constant 0 : i32
    %c0_i32_1 = arith.constant 0 : i32
    return %c0_i32, %c0_i32_0, %arg0 : i32, i32, i32
  }
}

</mosaic_0001>

<sc_bundles>
// kernel: kernel.5.cloned.1.call-start
scs
__scs_entry_jumppad:
0x0: {  	(pc) =	sbr.rel $0x88, $3  }
0x1: {  	(tag) =	ssettag $0x0;
	lr =	simm.s32 $0x1  }
0x2: {  	[smem:$0x3F99] =	sst lr;
	_ =	strace $0xD0000000  }
0x3: {  	_ = 	snop  }
0x4: {  	_ = 	snop  }
0x5: {  	_ = 	snop  }
0x6: {  	_ = 	snop  }
0x7: {  	_ = 	snop  }
__scs_overlays_trampoline_lowered:
0x8: {  	[smem:$0x3FA8] =	sst s0  }
0x9: {  	[smem:$0x3FA9] =	sst s1  }
0xa: {  	[smem:$0x3FAA] =	sst s2  }
0xb: {  	[smem:$0x3FAB] =	sst s3  }
0xc: {  	[smem:$0x3FAC] =	sst s4  }
0xd: {  	[smem:$0x3FAD] =	sst s5  }
0xe: {  	[smem:$0x3FAE] =	sst s6  }
0xf: {  	[smem:$0x3FAF] =	sst s7  }
0x10: {  	[smem:$0x3FB0] =	sst s8  }
0x11: {  	[smem:$0x3FB1] =	sst s9;
	s0 =	simm.s32 @!p0 $0x0  }
0x12: {  	s1 =	sld [smem:$0x3F97];
	s0 =	simm.s32 @p0 $0x1  }
0x13: {  	[smem:$0x3FB2] =	sst s0;
	s0 =	simm.s32 @!p1 $0x0  }
0x14: {  	s2 =	sld [smem:$0x3F96];
	s0 =	simm.s32 @p1 $0x1  }
0x15: {  	[smem:$0x3FB3] =	sst s0;
	s0 =	simm.s32 @!p2 $0x0  }
0x16: {  	s3 =	sld [smem:$0x3FDB];
	s0 =	simm.s32 @p2 $0x1  }
0x17: {  	s4 =	simm.s32 $0x1BF5;
	[smem:$0x3FB5] =	sst s0  }
0x18: {  	s0 =	sld [smem:$0x3F98];
	_ =	swait.ge [sflag:s4], $0x0  }
0x19: {  	s7 =	sld [smem:$0x3F99]  }
0x1a: {  	s8 =	sadd.s32 $0xFFFFE003, lr  }
0x1b: {  	s9 =	sadd.s32 $0xFFFFFEF7, lr;
	s5 =	simm.s32 $0xFFFFFFFF;
	p2 =	slt.u32 s8, $0xFFFFF086  }
0x1c: {  	p1 =	slt.u32 s9, $0xF7A;
	s5 =	simm.s32 @!p2 $0x0  }
0x1d: {  	s5 =	simm.s32 @p1 $0x1;
	p0 =	seq.s32 s7, s2  }
0x1e: {  	s7 =	smul.u32 @!p0 $0xF7A, s2;
	p2 =	seq.s32 @!p0 s5, $0x0  }
0x1f: {  	s9 =	smul.u32 $0xF7A, s1;
	s8 =	simm.s32 @!p0 $0x1BF5;
	p2 =	por !p2, p0  }
0x20: {  	[sflag:s8] =	ssyncset.s32 @!p0 $0xFFFFF086;
	s6 =	sadd.s32 @!p0 s3, s7;
	s7 =	simm.s32 @!p0 $0x108  }
0x21: {  	s3 =	sadd.s32 s3, s9;
	s6 =	sadd.s32 @!p0 $0x88, s6;
	s7 =	simm.s32 @p2 $0x1082  }
0x22: {  	[simem:s7], [sflag:s8] =	dma.local @!p0 [hbm:s6], $0xF7A  }
0x23: {  	s9 =	sor.u32 $0xD0000000, s2;
	s6 =	simm.s32 $0x108;
	_ =	swait.ge @!p0 [sflag:s8], $0x0  }
0x24: {  	s3 =	sadd.s32 $0x88, s3;
	s6 =	simm.s32 @!p1 $0x1082;
	[sflag:s4] =	ssyncset.s32 $0xFFFFF086  }
0x25: {  	[simem:s6], [sflag:s4] =	dma.local [hbm:s3], $0xF7A  }
0x26: {  	[smem:$0x3F99] =	sst s1;
	(tag) =	ssettag s2;
	_ =	strace s9  }
0x27: {  	s1 =	sld [smem:$0x3FA9]  }
0x28: {  	s2 =	sld [smem:$0x3FAA]  }
0x29: {  	s4 =	sld [smem:$0x3FAC]  }
0x2a: {  	p0 =	seq.s32 s5, $0x0;
	s5 =	sld [smem:$0x3FAD]  }
0x2b: {  	s6 =	sld [smem:$0x3FAE]  }
0x2c: {  	s7 =	sld [smem:$0x3FAF]  }
0x2d: {  	s3 =	simm.s32 $0x108;
	s8 =	sld [smem:$0x3FB0]  }
0x2e: {  	s3 =	simm.s32 @!p0 $0x1082;
	s9 =	sld [smem:$0x3FB1]  }
0x2f: {  	lr =	sadd.s32 s0, s3;
	s0 =	sld [smem:$0x3FA8]  }
0x30: {  	s3 =	sld [smem:$0x3FAB]  }
0x31: {  	[smem:$0x3FB4] =	sst s10  }
0x32: {  	s10 =	sld [smem:$0x3FB2];
	_ =	sdelay $0x3  }
0x33: {  	p0 =	seq.s32 s10, $0x1;
	s10 =	sld [smem:$0x3FB4];
	_ =	sdelay $0x3  }
0x34: {  	[smem:$0x3FB4] =	sst s10  }
0x35: {  	s10 =	sld [smem:$0x3FB3];
	_ =	sdelay $0x3  }
0x36: {  	p1 =	seq.s32 s10, $0x1;
	s10 =	sld [smem:$0x3FB4];
	_ =	sdelay $0x3  }
0x37: {  	[smem:$0x3FB4] =	sst s10  }
0x38: {  	s10 =	sld [smem:$0x3FB5]  }
0x39: {  	_ = 	snop;
	(pc) =	sbr.ind lr, $3  }
0x3a: {  	_ = 	snop  }
0x3b: {  	_ = 	snop  }
0x3c: {  	p2 =	seq.s32 s10, $0x1;
	s10 =	sld [smem:$0x3FB4]  }
0x3d: {  	_ =	shalt  }
0x3e: {  	_ =	shalt  }
0x3f: {  	_ =	shalt  }
0x40: {  	_ =	shalt  }
0x41: {  	_ =	shalt  }
0x42: {  	_ =	shalt  }
0x43: {  	_ =	shalt  }
0x44: {  	_ =	shalt  }
0x45: {  	_ =	shalt  }
0x46: {  	_ =	shalt  }
0x47: {  	_ =	shalt  }
0x48: {  	_ =	shalt  }
0x49: {  	_ =	shalt  }
0x4a: {  	_ =	shalt  }
0x4b: {  	_ =	shalt  }
0x4c: {  	_ =	shalt  }
0x4d: {  	_ =	shalt  }
0x4e: {  	_ =	shalt  }
0x4f: {  	_ =	shalt  }
0x50: {  	_ =	shalt  }
0x51: {  	_ =	shalt  }
0x52: {  	_ =	shalt  }
0x53: {  	_ =	shalt  }
0x54: {  	_ =	shalt  }
0x55: {  	_ =	shalt  }
0x56: {  	_ =	shalt  }
0x57: {  	_ =	shalt  }
0x58: {  	_ =	shalt  }
0x59: {  	_ =	shalt  }
0x5a: {  	_ =	shalt  }
0x5b: {  	_ =	shalt  }
0x5c: {  	_ =	shalt  }
0x5d: {  	_ =	shalt  }
0x5e: {  	_ =	shalt  }
0x5f: {  	_ =	shalt  }
0x60: {  	_ =	shalt  }
0x61: {  	_ =	shalt  }
0x62: {  	_ =	shalt  }
0x63: {  	_ =	shalt  }
0x64: {  	_ =	shalt  }
0x65: {  	_ =	shalt  }
0x66: {  	_ =	shalt  }
0x67: {  	_ =	shalt  }
0x68: {  	_ =	shalt  }
0x69: {  	_ =	shalt  }
0x6a: {  	_ =	shalt  }
0x6b: {  	_ =	shalt  }
0x6c: {  	_ =	shalt  }
0x6d: {  	_ =	shalt  }
0x6e: {  	_ =	shalt  }
0x6f: {  	_ =	shalt  }
0x70: {  	_ =	shalt  }
0x71: {  	_ =	shalt  }
0x72: {  	_ =	shalt  }
0x73: {  	_ =	shalt  }
0x74: {  	_ =	shalt  }
0x75: {  	_ =	shalt  }
0x76: {  	_ =	shalt  }
0x77: {  	_ =	shalt  }
0x78: {  	_ =	shalt  }
0x79: {  	_ =	shalt  }
0x7a: {  	_ =	shalt  }
0x7b: {  	_ =	shalt  }
0x7c: {  	_ =	shalt  }
0x7d: {  	_ =	shalt  }
0x7e: {  	_ =	shalt  }
0x7f: {  	_ =	shalt  }
0x80: {  	_ =	shalt  }
0x81: {  	_ =	shalt  }
0x82: {  	_ =	shalt  }
0x83: {  	_ =	shalt  }
0x84: {  	_ =	shalt  }
0x85: {  	_ =	shalt  }
0x86: {  	_ =	shalt  }
0x87: {  	_ =	shalt  }
.Lfunc_end0:
.L_simem_size_0:
called_computation_lowered:
.L_overlay_start_0:
0x88: {  	s2 =	sld [smem:$0x3FD9]  }
0x89: {  	s3 =	sld [smem:$0x3FFE];
	_ =	sdelay $0x1  }
0x8a: {  	s1 =	srdreg.scid  }
0x8b: {  	s0 =	sand.u32 $0x1, s1  }
0x8c: {  	s17 =	sshll.u32 s0, $0xA;
	s2 =	sadd.s32 s3, s2  }
0x8d: {  	s2 =	sadd.s32 s2, s17  }
0x8e: {  	[smem:$0x3FC0] =	sst s2  }
0x8f: {  	_ = 	snop  }
0x90: {  	s2 =	sld [smem:$0x3FD0];
	(tm) =	ssettm $0x1  }
0x91: {  	s18 =	sld [smem:$0x3FFB];
	_ =	sdelay $0x3  }
0x92: {  	_ =	strace s18  }
0x93: {  	s3 =	sld [smem:$0x3FFC];
	_ =	sdelay $0x3  }
0x94: {  	_ =	strace s3  }
0x95: {  	s3 =	sld [smem:$0x3FFD];
	_ =	sdelay $0x3  }
0x96: {  	_ =	strace s3  }
0x97: {  	_ =	strace $0x8FFFFFFF  }
0x98: {  	s19 =	sld [smem:$0x3FDB];
	_ =	sdelay $0x1  }
0x99: {  	s4 =	simm.s32 $_scs_section_size  }
0x9a: {  	s5 =	simm.s32 $_size__tile_overlayer_lowered;
	s6 =	simm.s32 $_tile_overlayer_lowered  }
0x9b: {  	s22 =	simm.s32 $0x1BFF;
	s21 =	sshll.u32 s6, $0x1;
	s3 =	sadd.s32 s4, s19  }
0x9c: {  	s7 =	simm.s32 $0x0;
	s20 =	sshll.u32 s5, $0x1;
	s5 =	sadd.s32 s21, s3  }
0x9d: {  	[timem:s7], [sflag:s22] =	dma.local [hbm:s5], s20  }
0x9e: {  	_ =	swait.ge [sflag:s22], s20  }
0x9f: {  	s4 =	ssub.s32 $0x0, s20;
	[sflag:s22] =	ssyncset.done $0x0  }
0xa0: {  	[sflag:s22] =	ssyncadd.s32 s4;
	_ =	sdelay $0x1  }
0xa1: {  	s23 =	simm.s32 $0x1B8B  }
0xa2: {  	_ =	swait.ge [sflag:s23], $0x1  }
0xa3: {  	[sflag:s23] =	ssyncset.done $0x0  }
0xa4: {  	s25 =	simm.s32 $0x1B8E;
	s24 =	sld [smem:$0x3FFE];
	[sflag:s23] =	ssyncadd.s32 $0xFFFFFFFF  }
0xa5: {  	s26 =	simm.s32 $execute0_lowered;
	[smem:$0x3FD2] =	sst s25  }
0xa6: {  	s5 =	sshll.u32 s26, $0x1;
	_ =	strace $0x80000046;
	[dreg:$0x1] =	wrdreg $0xFFFFFFFF  }
0xa7: {  	s28 =	simm.s32 $_size_execute0_lowered;
	s3 =	sadd.s32 s3, s5;
	[dreg:$0x0] =	wrdreg $0x0  }
0xa8: {  	s5 =	sshll.u32 s28, $0x1;
	[dreg:$0x2] =	wrdreg s3  }
0xa9: {  	[dreg:$0x3] =	wrdreg s5  }
0xaa: {  	[dreg:$0x4] =	wrdreg $0xC0  }
0xab: {  	_ =	task [dreg:s7], $0x5FFFF  }
0xac: {  	[dreg:$0x1] =	wrdreg $0xFFFFFFFF  }
0xad: {  	[dreg:$0x0] =	wrdreg $0x60  }
0xae: {  	[dreg:$0x2] =	wrdreg s24  }
0xaf: {  	[dreg:$0x3] =	wrdreg s2  }
0xb0: {  	[dreg:$0x4] =	wrdreg $0x0  }
0xb1: {  	[dreg:$0x5] =	wrdreg $0x9  }
0xb2: {  	_ =	task.clear_ibuf [dreg:s7], $0x6FFFF;
	_ =	strace $0x90000046  }
0xb3: {  	s29 =	simm.s32 $0x9;
	_ =	strace $0x80000048  }
0xb4: {  	_ =	swait.ge [sflag:s29], $0x1  }
0xb5: {  	[sflag:s29] =	ssyncadd.s32 $0xFFFFFFFF  }
0xb6: {  	_ =	strace $0x90000048  }
0xb7: {  	_ =	sfence  }
0xb8: {  	s30 =	sld [smem:$0x0];
	_ =	sdelay $0x2  }
0xb9: {  	s31 =	sshll.u32 s1, $0xD;
	s1 =	sshrl.u32 s1, $0x2  }
0xba: {  	s3 =	sand.u32 $0x4000, s31;
	s1 =	sadd.s32 s1, s30  }
0xbb: {  	s0 =	sor.u32 s3, s0;
	s1 =	sshll.u32 s1, $0x11  }
0xbc: {  	s0 =	sor.u32 s1, s0  }
0xbd: {  	s0 =	sadd.s32 $0x8F2B, s0  }
0xbe: {  	[sflag:s0] =	ssyncadd.remote.s32 $0x1  }
0xbf: {  	_ =	sfence.sel $0xFFFF  }
0xc0: {  	[dreg:$0x0] =	wrdreg $0xFFFFFFFF;
	(pc) =	sbr.abs _section_cstart, $3  }
0xc1: {  	[dreg:$0x1] =	wrdreg $0xFFFFFFFF  }
0xc2: {  	_ =	task.clear_ibuf [dreg:s7], $0x2FFFF;
	_ =	strace $0x9FFFFFFF  }
0xc3: {  	(tm) =	ssettm $0x7FFFFFFF  }
tec
execute0_lowered:
.L_overlay_start_1:
0x0: {  	(tag) =	ssettag $0x1  }
0x1: {  	s0 =	rddreg [dreg:$0x0]  }
0x2: {  	s1 =	srdreg.scid;
	s6 =	rddreg [dreg:$0x1]  }
0x3: {  	s2 =	rddreg [dreg:$0x2];
	s12 =	stileid.u32;
	s3 =	simm.s32 $0x0  }
0x4: {  	s14 =	simm.s32 $0x7;
	s18 =	simm.s32 $0x40;
	s28 =	simm.s32 $0x12100  }
0x5: {  	s29 =	simm.s32 $0x13500;
	s30 =	simm.s32 $0x12700;
	s31 =	simm.s32 $0x13900  }
0x6: {  	s17 =	simm.s32 $0x2;
	s19 =	simm.s32 $0x4;
	s20 =	simm.s32 $0x16D00  }
0x7: {  	s21 =	simm.s32 $0x5;
	s1 =	sand.u32 $0x1, s1;
	[smem:$0x7FF] =	sst s3  }
0x8: {  	s8 =	smul.u32 $0xED00, s12;
	s5 =	sadd.s32 $0x13000, s0;
	s9 =	sadd.s32 $0x1600, s0  }
0x9: {  	s11 =	smul.u32 $0x13C00, s12;
	s24 =	sshll.u32 s12, $0x6;
	s4 =	sshll.u32 s1, $0x4  }
0xa: {  	_ =	strace $0x80000047;
	[dreg:$0x4] =	wrdreg s9;
	s10 =	ssub.s32 $0x2, s1  }
0xb: {  	s1 =	smul.u32 $0x13C000, s1;
	s4 =	sor.u32 s12, s4;
	s22 =	sshrl.u32 s8, $0x3  }
0xc: {  	s23 =	sshrl.u32 s10, $0x1;
	s13 =	sadd.s32 s8, s2;
	s8 =	sor.u32 $0x1C07, s24  }
0xd: {  	s7 =	smul.u32 $0x280, s4;
	s4 =	sadd.s32 $0xB800, s0;
	s9 =	ssub.s32 s10, s23  }
0xe: {  	s25 =	sadd.s32 s11, s1;
	s13 =	sshrl.u32 s13, $0x3;
	s1 =	simm.s32 $0x13D00  }
0xf: {  	s23 =	simm.s32 $0x0;
	s7 =	sadd.s32 s7, s0;
	s0 =	sadd.s32 s22, s0  }
0x10: {  	s12 =	smax.u32 s9, $0x1;
	s22 =	simm.s32 $0x6;
	s0 =	sadd.s32 $0x18000, s0  }
0x11: {  	s26 =	sadd.s32 $0x1800, s7;
	s10 =	sadd.s32 $0x6800, s7;
	[dreg:$0x5] =	wrdreg s0  }
0x12: {  	[dreg:$0x6] =	wrdreg s26;
	s0 =	sshrl.u32 s25, $0x3;
	s25 =	simm.s32 $0x1  }
0x13: {  	s26 =	simm.s32 $0x3;
	s11 =	sadd.s32 s6, s0;
	s0 =	simm.s32 $0x80  }
.LBB2_1:
0x14: {  	s6 =	rddreg [dreg:$0x5]  }
0x15: {  	[spmem:s13], [sflag:s8] =	dma.local [hbm:s6], $0x1DA0  }
0x16: {  	_ =	swait.ge [sflag:s14], $0x1DA0  }
0x17: {  	[sflag:s14] =	ssyncset.done $0x0  }
0x18: {  	s7 =	simm.s32 $0xED00;
	s15 =	rddreg [dreg:$0x6];
	[sflag:s14] =	ssyncadd.s32 $0xFFFFE260  }
0x19: {  	[tilespmem:s7], [sflag:$0x7] =	stream.linear.gather [hbm4b:s15+s3], $0x1400, $0x38;
	[tilespmem:$0x19DC0] =	vst v63  }
0x1a: {  	_ =	swait.ge [sflag:s14], $0x1400  }
0x1b: {  	[sflag:s14] =	ssyncset.done $0x0  }
0x1c: {  	s9 =	simm.s32 $0x10100;
	[sflag:s14] =	ssyncadd.s32 $0xFFFFEC00  }
0x1d: {  	[tilespmem:s9], [sflag:$0x7] =	stream.linear.gather [hbm4b:s10+s3], $0x1400, $0x38;
	[tilespmem:$0x19DC0] =	vst v63  }
0x1e: {  	_ =	swait.ge [sflag:s14], $0x1400  }
0x1f: {  	[sflag:s14] =	ssyncset.done $0x0  }
0x20: {  	s15 =	simm.s32 $0x19D00;
	s16 =	rddreg [dreg:$0x4];
	[sflag:s14] =	ssyncadd.s32 $0xFFFFEC00  }
0x21: {  	[tilespmem:s15], [sflag:$0x7] =	stream.linear.gather [hbm4b:s16+s3], $0xC0, $0x38;
	[tilespmem:$0x19DC0] =	vst v63  }
0x22: {  	_ =	swait.ge [sflag:s14], $0xC0  }
0x23: {  	[sflag:s14] =	ssyncset.done $0x0  }
0x24: {  	[sflag:s14] =	ssyncadd.s32 $0xFFFFFF40  }
0x25: {  	v0 =	vld [tilespmem:$0x19D00]  }
0x26: {  	v2 =	vld [tilespmem:$0x19D10]  }
0x27: {  	v4 =	vld [tilespmem:$0x19D20]  }
0x28: {  	v6 =	vld [tilespmem:$0x19D30]  }
0x29: {  	v8 =	vld [tilespmem:$0x19D40]  }
0x2a: {  	v10 =	vld [tilespmem:$0x19D50]  }
0x2b: {  	v1 =	vld [tilespmem:$0x19D60]  }
0x2c: {  	v3 =	vld [tilespmem:$0x19D70]  }
0x2d: {  	v5 =	vld [tilespmem:$0x19D80]  }
0x2e: {  	v7 =	vld [tilespmem:$0x19D90]  }
0x2f: {  	v9 =	vld [tilespmem:$0x19DA0]  }
0x30: {  	s24 =	simm.s32 $0x11500;
	v11 =	vld [tilespmem:$0x19DB0];
	[bflag:$0x0] =	sbarrier.arrive $0xFFFF  }
0x31: {  	[tilespmem:s24], [sflag:$0x1] =	stream.indirect.gather [hbm4b:s4+s18], $0x18, s7, s18, $0xb8;
	[tilespmem:$0x19DC0] =	vst v63  }
0x32: {  	s7 =	simm.s32 $0x12D00  }
0x33: {  	[tilespmem:s7], [sflag:$0x3] =	stream.indirect.gather [hbm4b:s5+s18], $0x10, s9, s18, $0xb8;
	[tilespmem:$0x19DC0] =	vst v63  }
0x34: {  	s15 =	simm.s32 $0x11B00;
	s9 =	simm.s32 $0xED40  }
0x35: {  	[tilespmem:s15], [sflag:$0x1] =	stream.indirect.gather [hbm4b:s4+s18], $0x18, s9, s18, $0xb8;
	v0 =	vand.u32 $0xF, v0;
	v1 =	vand.u32 $0xF, v1;
	v2 =	vand.u32 $0xF, v2;
	[tilespmem:$0x19DC0] =	vst v63  }
0x36: {  	s16 =	simm.s32 $0x10140;
	s24 =	simm.s32 $0x13100;
	v3 =	vand.u32 $0xF, v3;
	v4 =	vand.u32 $0xF, v4;
	v5 =	vand.u32 $0xF, v5  }
0x37: {  	v6 =	vand.u32 $0xF, v6;
	v7 =	vand.u32 $0xF, v7;
	v8 =	vand.u32 $0xF, v8;
	[tilespmem:s24], [sflag:$0x3] =	stream.indirect.gather [hbm4b:s5+s18], $0x10, s16, s18, $0xb8;
	[tilespmem:$0x19DC0] =	vst v63  }
0x38: {  	v9 =	vand.u32 $0xF, v9;
	v10 =	vand.u32 $0xF, v10;
	v11 =	vand.u32 $0xF, v11;
	s24 =	simm.s32 $0x0  }
.LBB2_2:
0x39: {  	_ =	swait.ge [sflag:s25], $0x600  }
0x3a: {  	[sflag:s25] =	ssyncset.done $0x0  }
0x3b: {  	[sflag:s25] =	ssyncadd.s32 $0xFFFFFA00  }
0x3c: {  	_ =	swait.ge [sflag:s26], $0x400  }
0x3d: {  	[sflag:s26] =	ssyncset.done $0x0  }
0x3e: {  	[sflag:s26] =	ssyncadd.s32 $0xFFFFFC00  }
0x3f: {  	_ =	swait.ge [sflag:s25], $0x600  }
0x40: {  	[sflag:s25] =	ssyncset.done $0x0  }
0x41: {  	[sflag:s25] =	ssyncadd.s32 $0xFFFFFA00  }
0x42: {  	s6 =	sshllo.u32 s24, $0x1;
	_ =	swait.ge [sflag:s26], $0x400  }
0x43: {  	s6 =	sshll.u32 s6, $0x7;
	[sflag:s26] =	ssyncset.done $0x0  }
0x44: {  	s7 =	sadd.s32 $0xED00, s6;
	[sflag:s26] =	ssyncadd.s32 $0xFFFFFC00  }
0x45: {  	[tilespmem:s28], [sflag:$0x2] =	stream.indirect.gather [hbm4b:s4+s18], $0x18, s7, s18, $0xb8;
	[tilespmem:$0x19DC0] =	vst v63  }
0x46: {  	s16 =	sadd.s32 $0x10100, s6  }
0x47: {  	[tilespmem:s29], [sflag:$0x4] =	stream.indirect.gather [hbm4b:s5+s18], $0x10, s16, s18, $0xb8;
	[tilespmem:$0x19DC0] =	vst v63  }
0x48: {  	p0 =	seq.s32 s24, $0x0;
	s9 =	sadd.s32 $0xED40, s6  }
0x49: {  	[tilespmem:s30], [sflag:$0x2] =	stream.indirect.gather [hbm4b:s4+s18], $0x18, s9, s18, $0xb8;
	[tilespmem:$0x19DC0] =	vst v63  }
0x4a: {  	s15 =	sadd.s32 $0x10140, s6;
	s7 =	simm.s32 @!p0 $0x5  }
0x4b: {  	[tilespmem:s31], [sflag:$0x4] =	stream.indirect.gather [hbm4b:s5+s18], $0x10, s15, s18, $0xb8;
	[tilespmem:$0x19DC0] =	vst v63  }
0x4c: {  	_ =	swait.ge @!p0 [sflag:s7], $0x3000  }
0x4d: {  	[sflag:s7] =	ssyncset.done @!p0 $0x0  }
0x4e: {  	s16 =	simm.s32 $0x11530;
	[sflag:s7] =	ssyncadd.s32 @!p0 $0xFFFFD000  }
0x4f: {  	s15 =	simm.s32 $0x12D20;
	v12 =	vld [tilespmem:s16+$0x18]  }
0x50: {  	v13 =	vld [tilespmem:s15+$0x10]  }
0x51: {  	v17 =	vld [tilespmem:s16+$0x0]  }
0x52: {  	v18 =	vld [tilespmem:s15+$0x0]  }
0x53: {  	v37 =	vld [tilespmem:s16+$0xFFFFFFF0]  }
0x54: {  	v55 =	vld [tilespmem:s16+$0x20]  }
0x55: {  	v39 =	vld [tilespmem:s16+$0x8]  }
0x56: {  	v15 =	vld [tilespmem:s16+$0xFFFFFFE8]  }
0x57: {  	v16 =	vld [tilespmem:s15+$0xFFFFFFF0];
	v12 =	vadd.f32 v13, v12  }
0x58: {  	v17 =	vadd.f32 v18, v17;
	v18 =	vperm.xlane v37, v1;
	v20 =	vperm.xlane v37, v3  }
0x59: {  	v26 =	vperm.xlane v55, v11;
	v19 =	vmul.f32 $2.000000030e-01, v12  }
0x5a: {  	v14 =	vld [tilespmem:s15+$0xFFFFFFE0];
	v49 =	vperm.xlane v37, v11;
	v47 =	vperm.xlane v39, v1  }
0x5b: {  	v13 =	vld [tilespmem:s16+$0xFFFFFFD0];
	v48 =	vperm.xlane v39, v3;
	v45 =	vperm.xlane v39, v5;
	v12 =	vmax.f32 v12, v19  }
0x5c: {  	v15 =	vadd.f32 v16, v15;
	v46 =	vperm.xlane v39, v7;
	v12 =	vmul.f32 $1.442695020e+00, v12  }
0x5d: {  	v43 =	vperm.xlane v39, v9;
	v44 =	vperm.xlane v39, v11  }
0x5e: {  	v16 =	vld [tilespmem:s16+$0xFFFFFFD8];
	v19 =	vmul.f32 $2.000000030e-01, v15;
	(erf) = vpow2.f32 v12  }
0x5f: {  	v42 =	vperm.xlane v55, v1;
	v41 =	vperm.xlane v55, v3  }
0x60: {  	v40 =	vperm.xlane v55, v5;
	v13 =	vadd.f32 v14, v13;
	v14 =	vmax.f32 v15, v19  }
0x61: {  	v15 =	vmul.f32 $2.000000030e-01, v17;
	v14 =	vmul.f32 $1.442695020e+00, v14  }
0x62: {  	v39 =	vperm.xlane v55, v7;
	v12 =	vmul.f32 $2.000000030e-01, v13  }
0x63: {  	v54 =	vperm.xlane v16, v1;
	v15 =	vmax.f32 v17, v15;
	(erf) = vpow2.f32 v14  }
0x64: {  	v56 =	vperm.xlane v16, v3;
	v12 =	vmax.f32 v13, v12;
	v13 =	vmul.f32 $1.442695020e+00, v15  }
0x65: {  	v21 =	vperm.xlane v16, v7;
	v22 =	vperm.xlane v16, v9  }
0x66: {  	v23 =	vperm.xlane v16, v11;
	(erf) = vpow2.f32 v13  }
0x67: {  	v19 =	vperm.xlane v16, v5;
	v12 =	vmul.f32 $1.442695020e+00, v12;
	v24 =	vpop (erf)  }
0x68: {  	v16 =	vperm.xlane v37, v5;
	v25 =	vperm.xlane v24, v10  }
0x69: {  	v17 =	vperm.xlane v37, v7;
	(erf) = vpow2.f32 v12  }
0x6a: {  	v15 =	vperm.xlane v37, v9;
	v37 =	vperm.xlane v55, v9  }
0x6b: {  	v14 =	vperm.xlane v24, v0;
	v12 =	vperm.xlane v24, v2  }
0x6c: {  	v13 =	vperm.xlane v24, v4;
	v57 =	vmul.f32 v26, v25;
	v25 =	vpop (erf)  }
0x6d: {  	v31 =	vperm.xlane v25, v0;
	v30 =	vperm.xlane v25, v2  }
0x6e: {  	v29 =	vperm.xlane v25, v4;
	v27 =	vperm.xlane v25, v6  }
0x6f: {  	v32 =	vpop (erf);
	v28 =	vperm.xlane v25, v8;
	v26 =	vperm.xlane v25, v10  }
0x70: {  	v38 =	vperm.xlane v32, v0;
	v36 =	vperm.xlane v32, v2  }
0x71: {  	v35 =	vperm.xlane v32, v4;
	v34 =	vperm.xlane v32, v6  }
0x72: {  	v25 =	vpop (erf);
	v33 =	vperm.xlane v32, v8;
	v32 =	vperm.xlane v32, v10  }
0x73: {  	v58 =	vperm.xlane v25, v0;
	v59 =	vperm.xlane v25, v2  }
0x74: {  	v53 =	vperm.xlane v25, v4;
	v52 =	vperm.xlane v25, v6  }
0x75: {  	v51 =	vperm.xlane v25, v8;
	v50 =	vperm.xlane v25, v10  }
0x76: {  	s16 =	simm.s32 $0x13DC0;
	v25 =	vperm.xlane v24, v6;
	v24 =	vperm.xlane v24, v8  }
0x77: {  	s9 =	simm.s32 $0x11590;
	s7 =	simm.s32 $0x0;
	[tilespmem:s16+$0xB0] =	vst v57;
	v55 =	vmul.f32 v54, v58;
	v54 =	vmul.f32 v56, v59  }
.LBB2_3:
0x78: {  	v56 =	vld [tilespmem:s9+$0x18];
	v19 =	vmul.f32 v19, v53;
	v21 =	vmul.f32 v21, v52;
	s15 =	sadd.s32 $0x40, s15  }
0x79: {  	s7 =	sadd.s32 $0x4, s7;
	v22 =	vmul.f32 v22, v51;
	v23 =	vmul.f32 v23, v50;
	v52 =	vld [tilespmem:s15+$0x10];
	[tilespmem:s16+$0xFFFFFF40] =	vst v55  }
0x7a: {  	v18 =	vmul.f32 v18, v31;
	v20 =	vmul.f32 v20, v30;
	p0 =	slt.u32 s7, $0x7C;
	v50 =	vld [tilespmem:s15+$0xFFFFFFE0];
	[tilespmem:s16+$0xFFFFFF50] =	vst v54  }
0x7b: {  	v16 =	vmul.f32 v16, v29;
	v17 =	vmul.f32 v17, v27;
	v30 =	vld [tilespmem:s9+$0xFFFFFFE8];
	[tilespmem:s16+$0xFFFFFF60] =	vst v19  }
0x7c: {  	v15 =	vmul.f32 v15, v28;
	v19 =	vld [tilespmem:s15+$0xFFFFFFF0];
	[tilespmem:s16+$0xFFFFFF70] =	vst v21;
	v21 =	vmul.f32 v49, v26  }
0x7d: {  	v27 =	vmul.f32 v48, v36;
	v26 =	vld [tilespmem:s9+$0x0];
	[tilespmem:s16+$0xFFFFFF80] =	vst v22;
	v22 =	vmul.f32 v47, v38  }
0x7e: {  	v31 =	vmul.f32 v46, v34;
	v28 =	vld [tilespmem:s15+$0x0];
	v29 =	vadd.f32 v52, v56;
	[tilespmem:s16+$0xFFFFFF90] =	vst v23;
	v23 =	vmul.f32 v45, v35  }
0x7f: {  	v32 =	vmul.f32 v44, v32;
	v34 =	vld [tilespmem:s9+$0xFFFFFFD0];
	[tilespmem:s16+$0xFFFFFFA0] =	vst v18;
	v18 =	vmul.f32 v43, v33  }
0x80: {  	v14 =	vmul.f32 v42, v14;
	v33 =	vld [tilespmem:s9+$0xFFFFFFD8];
	v35 =	vmul.f32 $2.000000030e-01, v29;
	[tilespmem:s16+$0xFFFFFFB0] =	vst v20  }
0x81: {  	v12 =	vmul.f32 v41, v12;
	v13 =	vmul.f32 v40, v13;
	v42 =	vld [tilespmem:s9+$0xFFFFFFF0];
	v19 =	vadd.f32 v19, v30;
	[tilespmem:s16+$0xFFFFFFC0] =	vst v16  }
0x82: {  	v25 =	vmul.f32 v39, v25;
	v24 =	vmul.f32 v37, v24;
	v40 =	vld [tilespmem:s9+$0x8];
	v16 =	vmax.f32 v29, v35;
	[tilespmem:s16+$0xFFFFFFD0] =	vst v17  }
0x83: {  	v17 =	vmul.f32 $2.000000030e-01, v19;
	v20 =	vadd.f32 v28, v26;
	v16 =	vmul.f32 $1.442695020e+00, v16;
	[tilespmem:s16+$0xFFFFFFE0] =	vst v15  }
0x84: {  	v15 =	vadd.f32 v50, v34;
	[tilespmem:s16+$0xFFFFFFF0] =	vst v21  }
0x85: {  	v17 =	vmax.f32 v19, v17;
	v19 =	vmul.f32 $2.000000030e-01, v20;
	(erf) = vpow2.f32 v16;
	[tilespmem:s16+$0x0] =	vst v22  }
0x86: {  	v16 =	vmul.f32 $2.000000030e-01, v15;
	v17 =	vmul.f32 $1.442695020e+00, v17;
	[tilespmem:s16+$0x10] =	vst v27  }
0x87: {  	v54 =	vperm.xlane v33, v1;
	v56 =	vperm.xlane v33, v3;
	v19 =	vmax.f32 v20, v19;
	[tilespmem:s16+$0x20] =	vst v23  }
0x88: {  	v15 =	vmax.f32 v15, v16;
	v16 =	vmul.f32 $1.442695020e+00, v19;
	(erf) = vpow2.f32 v17;
	[tilespmem:s16+$0x30] =	vst v31  }
0x89: {  	v19 =	vperm.xlane v33, v5;
	v15 =	vmul.f32 $1.442695020e+00, v15;
	[tilespmem:s16+$0x40] =	vst v18  }
0x8a: {  	v21 =	vperm.xlane v33, v7;
	v37 =	vld [tilespmem:s9+$0x20];
	(erf) = vpow2.f32 v16;
	[tilespmem:s16+$0x50] =	vst v32  }
0x8b: {  	v22 =	vperm.xlane v33, v9;
	(erf) = vpow2.f32 v15;
	[tilespmem:s16+$0x60] =	vst v14  }
0x8c: {  	v23 =	vperm.xlane v33, v11;
	v18 =	vperm.xlane v42, v1;
	[tilespmem:s16+$0x70] =	vst v12  }
0x8d: {  	v20 =	vperm.xlane v42, v3;
	v16 =	vperm.xlane v42, v5;
	[tilespmem:s16+$0x80] =	vst v13  }
0x8e: {  	v17 =	vperm.xlane v42, v7;
	v15 =	vperm.xlane v42, v9;
	v39 =	vpop (erf);
	[tilespmem:s16+$0x90] =	vst v25  }
0x8f: {  	v27 =	vperm.xlane v39, v10;
	v26 =	vperm.xlane v37, v11;
	[tilespmem:s16+$0xA0] =	vst v24  }
0x90: {  	v14 =	vperm.xlane v39, v0;
	v12 =	vperm.xlane v39, v2  }
0x91: {  	v13 =	vperm.xlane v39, v4;
	v26 =	vmul.f32 v26, v27;
	v25 =	vpop (erf)  }
0x92: {  	s16 =	sadd.s32 $0x180, s16;
	v31 =	vperm.xlane v25, v0;
	v30 =	vperm.xlane v25, v2  }
0x93: {  	v29 =	vperm.xlane v25, v4;
	v27 =	vperm.xlane v25, v6;
	[tilespmem:s16+$0xB0] =	vst v26;
	v24 =	vpop (erf)  }
0x94: {  	v28 =	vperm.xlane v25, v8;
	v26 =	vperm.xlane v25, v10;
	v25 =	vpop (erf)  }
0x95: {  	v55 =	vperm.xlane v25, v0;
	v57 =	vperm.xlane v25, v2  }
0x96: {  	v53 =	vperm.xlane v25, v4;
	v52 =	vperm.xlane v25, v6  }
0x97: {  	v51 =	vperm.xlane v25, v8;
	v50 =	vperm.xlane v25, v10  }
0x98: {  	v38 =	vperm.xlane v24, v0;
	v36 =	vperm.xlane v24, v2  }
0x99: {  	v35 =	vperm.xlane v24, v4;
	v34 =	vperm.xlane v24, v6  }
0x9a: {  	v33 =	vperm.xlane v24, v8;
	v32 =	vperm.xlane v24, v10  }
0x9b: {  	v24 =	vperm.xlane v39, v8;
	v25 =	vperm.xlane v39, v6  }
0x9c: {  	v49 =	vperm.xlane v42, v11;
	v47 =	vperm.xlane v40, v1  }
0x9d: {  	v48 =	vperm.xlane v40, v3;
	v45 =	vperm.xlane v40, v5  }
.Ltmp0:
0x9e: {  	v46 =	vperm.xlane v40, v7;
	v43 =	vperm.xlane v40, v9;
	(pc) =	sbr.rel @p0 .LBB2_3-.Ltmp0, $4  }
0x9f: {  	v44 =	vperm.xlane v40, v11;
	v42 =	vperm.xlane v37, v1  }
0xa0: {  	v41 =	vperm.xlane v37, v3;
	v40 =	vperm.xlane v37, v5  }
0xa1: {  	v39 =	vperm.xlane v37, v7;
	v37 =	vperm.xlane v37, v9  }
0xa2: {  	s9 =	sadd.s32 $0x60, s9;
	v55 =	vmul.f32 v54, v55;
	v54 =	vmul.f32 v56, v57  }
0xa3: {  	_ = 	snop  }
0xa4: {  	v19 =	vmul.f32 v19, v53;
	[tilespmem:s16+$0xFFFFFF40] =	vst v55  }
0xa5: {  	v21 =	vmul.f32 v21, v52;
	[tilespmem:s16+$0xFFFFFF50] =	vst v54  }
0xa6: {  	v22 =	vmul.f32 v22, v51;
	[tilespmem:s16+$0xFFFFFF60] =	vst v19  }
0xa7: {  	v18 =	vmul.f32 v18, v31;
	[tilespmem:s16+$0xFFFFFF70] =	vst v21  }
0xa8: {  	v20 =	vmul.f32 v20, v30;
	[tilespmem:s16+$0xFFFFFF80] =	vst v22  }
0xa9: {  	v16 =	vmul.f32 v16, v29;
	[tilespmem:s16+$0xFFFFFFA0] =	vst v18  }
0xaa: {  	v17 =	vmul.f32 v17, v27;
	[tilespmem:s16+$0xFFFFFFB0] =	vst v20  }
0xab: {  	v15 =	vmul.f32 v15, v28;
	[tilespmem:s16+$0xFFFFFFC0] =	vst v16  }
0xac: {  	v14 =	vmul.f32 v42, v14;
	[tilespmem:s16+$0xFFFFFFD0] =	vst v17  }
0xad: {  	v12 =	vmul.f32 v41, v12;
	[tilespmem:s16+$0xFFFFFFE0] =	vst v15  }
0xae: {  	v13 =	vmul.f32 v40, v13;
	[tilespmem:s16+$0x60] =	vst v14  }
0xaf: {  	v19 =	vmul.f32 v23, v50;
	[tilespmem:s16+$0x70] =	vst v12  }
0xb0: {  	v16 =	vmul.f32 v49, v26;
	[tilespmem:s16+$0x80] =	vst v13  }
0xb1: {  	v17 =	vmul.f32 v47, v38;
	[tilespmem:s16+$0xFFFFFF90] =	vst v19  }
0xb2: {  	v15 =	vmul.f32 v48, v36;
	[tilespmem:s16+$0xFFFFFFF0] =	vst v16  }
0xb3: {  	v14 =	vmul.f32 v39, v25;
	[tilespmem:s16+$0x0] =	vst v17  }
0xb4: {  	v12 =	vmul.f32 v37, v24;
	[tilespmem:s16+$0x10] =	vst v15  }
0xb5: {  	v16 =	vmul.f32 v45, v35;
	[tilespmem:s16+$0x90] =	vst v14  }
0xb6: {  	v17 =	vmul.f32 v46, v34;
	[tilespmem:s16+$0xA0] =	vst v12  }
0xb7: {  	v15 =	vmul.f32 v43, v33;
	[tilespmem:s16+$0x20] =	vst v16  }
0xb8: {  	s7 =	sshll.u32 s24, $0x8;
	v16 =	vmul.f32 v44, v32;
	[tilespmem:s16+$0x30] =	vst v17  }
0xb9: {  	s7 =	sand.u32 $0x3FFFFF00, s7;
	[tilespmem:s16+$0x40] =	vst v15  }
0xba: {  	s7 =	sadd.s32 $0x10100, s7;
	[tilespmem:s16+$0x50] =	vst v16  }
0xbb: {  	[spmem:s2] =	stream.indirect.scatter.add.f32 [tilespmem:s1], [sflag:$0x5], $0x60, s7, s0, $0xb8;
	[tilespmem:$0x19DC0] =	vst v63  }
0xbc: {  	_ =	swait.ge [sflag:s17], $0x600  }
0xbd: {  	[sflag:s17] =	ssyncset.done $0x0  }
0xbe: {  	[sflag:s17] =	ssyncadd.s32 $0xFFFFFA00  }
0xbf: {  	_ =	swait.ge [sflag:s19], $0x400  }
0xc0: {  	[sflag:s19] =	ssyncset.done $0x0  }
0xc1: {  	[sflag:s19] =	ssyncadd.s32 $0xFFFFFC00  }
0xc2: {  	_ =	swait.ge [sflag:s17], $0x600  }
0xc3: {  	[sflag:s17] =	ssyncset.done $0x0  }
0xc4: {  	[sflag:s17] =	ssyncadd.s32 $0xFFFFFA00  }
0xc5: {  	p0 =	seq.s32 s24, $0x13;
	_ =	swait.ge [sflag:s19], $0x400  }
0xc6: {  	s15 =	simm.s32 @!p0 $0x40;
	s7 =	sshll.u32 @!p0 s24, $0x8;
	[sflag:s19] =	ssyncset.done $0x0  }
0xc7: {  	s16 =	simm.s32 @!p0 $0x11500;
	s9 =	sadd.s32 @!p0 $0xEE00, s7;
	[sflag:s19] =	ssyncadd.s32 $0xFFFFFC00  }
0xc8: {  	[tilespmem:s16], [sflag:$0x1] =	stream.indirect.gather @!p0 [hbm4b:s4+s15], $0x18, s9, s15, $0xb8;
	[tilespmem:$0x19DC0] =	vst v63  }
0xc9: {  	s9 =	sadd.s32 @!p0 $0x10200, s7;
	s16 =	simm.s32 @!p0 $0x12D00  }
0xca: {  	[tilespmem:s16], [sflag:$0x3] =	stream.indirect.gather @!p0 [hbm4b:s5+s15], $0x10, s9, s15, $0xb8;
	[tilespmem:$0x19DC0] =	vst v63  }
0xcb: {  	s9 =	sadd.s32 @!p0 $0xEE40, s7;
	s16 =	simm.s32 @!p0 $0x11B00  }
0xcc: {  	[tilespmem:s16], [sflag:$0x1] =	stream.indirect.gather @!p0 [hbm4b:s4+s15], $0x18, s9, s15, $0xb8;
	[tilespmem:$0x19DC0] =	vst v63  }
0xcd: {  	p1 =	seq.s32 @!p0 s24, $0x0;
	s7 =	sadd.s32 @!p0 $0x10240, s7;
	s9 =	simm.s32 @!p0 $0x13100  }
0xce: {  	[tilespmem:s9], [sflag:$0x3] =	stream.indirect.gather @!p0 [hbm4b:s5+s15], $0x10, s7, s15, $0xb8;
	[tilespmem:$0x19DC0] =	vst v63  }
0xcf: {  	p0 =	por p0, !p1  }
0xd0: {  	_ =	swait.ge @p0 [sflag:s22], $0x3000  }
0xd1: {  	[sflag:s22] =	ssyncset.done @p0 $0x0  }
0xd2: {  	s16 =	simm.s32 $0x12150;
	[sflag:s22] =	ssyncadd.s32 @p0 $0xFFFFD000  }
0xd3: {  	s15 =	simm.s32 $0x13530;
	v12 =	vld [tilespmem:s16+$0xFFFFFFF8]  }
0xd4: {  	v13 =	vld [tilespmem:s15+$0x0]  }
0xd5: {  	v17 =	vld [tilespmem:s16+$0xFFFFFFE0]  }
0xd6: {  	v18 =	vld [tilespmem:s15+$0xFFFFFFF0]  }
0xd7: {  	v47 =	vld [tilespmem:s16+$0xFFFFFFD0]  }
0xd8: {  	v61 =	vld [tilespmem:s16+$0x0]  }
0xd9: {  	v63 =	vld [tilespmem:s16+$0xFFFFFFE8]  }
0xda: {  	v15 =	vld [tilespmem:s16+$0xFFFFFFC8]  }
0xdb: {  	v16 =	vld [tilespmem:s15+$0xFFFFFFE0];
	v12 =	vadd.f32 v13, v12  }
0xdc: {  	v17 =	vadd.f32 v18, v17;
	v18 =	vperm.xlane v47, v1;
	v20 =	vperm.xlane v47, v3  }
0xdd: {  	v26 =	vperm.xlane v61, v11;
	v19 =	vmul.f32 $2.000000030e-01, v12  }
0xde: {  	v14 =	vld [tilespmem:s15+$0xFFFFFFD0];
	v49 =	vperm.xlane v47, v11;
	v48 =	vperm.xlane v63, v3  }
0xdf: {  	v13 =	vld [tilespmem:s16+$0xFFFFFFB0];
	v45 =	vperm.xlane v63, v5;
	v46 =	vperm.xlane v63, v7;
	v12 =	vmax.f32 v12, v19  }
0xe0: {  	v15 =	vadd.f32 v16, v15;
	v43 =	vperm.xlane v63, v9;
	v12 =	vmul.f32 $1.442695020e+00, v12  }
0xe1: {  	v44 =	vperm.xlane v63, v11;
	v42 =	vperm.xlane v61, v1  }
0xe2: {  	v16 =	vld [tilespmem:s16+$0xFFFFFFB8];
	v19 =	vmul.f32 $2.000000030e-01, v15;
	(erf) = vpow2.f32 v12  }
0xe3: {  	v41 =	vperm.xlane v61, v3;
	v40 =	vperm.xlane v61, v5  }
0xe4: {  	v39 =	vperm.xlane v61, v7;
	v13 =	vadd.f32 v14, v13;
	v14 =	vmax.f32 v15, v19  }
0xe5: {  	v15 =	vmul.f32 $2.000000030e-01, v17;
	v14 =	vmul.f32 $1.442695020e+00, v14  }
0xe6: {  	v37 =	vperm.xlane v61, v9;
	v12 =	vmul.f32 $2.000000030e-01, v13  }
0xe7: {  	v60 =	vperm.xlane v16, v1;
	v15 =	vmax.f32 v17, v15;
	(erf) = vpow2.f32 v14  }
0xe8: {  	v56 =	vperm.xlane v16, v3;
	v12 =	vmax.f32 v13, v12;
	v13 =	vmul.f32 $1.442695020e+00, v15  }
0xe9: {  	v21 =	vperm.xlane v16, v7;
	v22 =	vperm.xlane v16, v9  }
0xea: {  	v23 =	vperm.xlane v16, v11;
	(erf) = vpow2.f32 v13  }
0xeb: {  	v19 =	vperm.xlane v16, v5;
	v12 =	vmul.f32 $1.442695020e+00, v12;
	v24 =	vpop (erf)  }
0xec: {  	v16 =	vperm.xlane v47, v5;
	v25 =	vperm.xlane v24, v10  }
0xed: {  	v17 =	vperm.xlane v47, v7;
	(erf) = vpow2.f32 v12  }
0xee: {  	v15 =	vperm.xlane v47, v9;
	v47 =	vperm.xlane v63, v1  }
0xef: {  	v14 =	vperm.xlane v24, v0;
	v12 =	vperm.xlane v24, v2  }
0xf0: {  	v13 =	vperm.xlane v24, v4;
	v57 =	vmul.f32 v26, v25;
	v25 =	vpop (erf)  }
0xf1: {  	v31 =	vperm.xlane v25, v0;
	v30 =	vperm.xlane v25, v2  }
0xf2: {  	v29 =	vperm.xlane v25, v4;
	v27 =	vperm.xlane v25, v6  }
0xf3: {  	v62 =	vpop (erf);
	v28 =	vperm.xlane v25, v8;
	v26 =	vperm.xlane v25, v10  }
0xf4: {  	v38 =	vperm.xlane v62, v0;
	v36 =	vperm.xlane v62, v2  }
0xf5: {  	v35 =	vperm.xlane v62, v4;
	v34 =	vperm.xlane v62, v6  }
0xf6: {  	v25 =	vpop (erf);
	v33 =	vperm.xlane v62, v8;
	v32 =	vperm.xlane v62, v10  }
0xf7: {  	v58 =	vperm.xlane v25, v0;
	v59 =	vperm.xlane v25, v2  }
0xf8: {  	v53 =	vperm.xlane v25, v4;
	v52 =	vperm.xlane v25, v6  }
0xf9: {  	v51 =	vperm.xlane v25, v8;
	v50 =	vperm.xlane v25, v10  }
0xfa: {  	s16 =	simm.s32 $0x16E70;
	v25 =	vperm.xlane v24, v6;
	v24 =	vperm.xlane v24, v8  }
0xfb: {  	s7 =	simm.s32 $0x0;
	s9 =	simm.s32 $0x121B0;
	[tilespmem:s16+$0x0] =	vst v57;
	v55 =	vmul.f32 v60, v58;
	v54 =	vmul.f32 v56, v59  }
.LBB2_5:
0xfc: {  	v56 =	vld [tilespmem:s9+$0xFFFFFFF8];
	v19 =	vmul.f32 v19, v53;
	v21 =	vmul.f32 v21, v52;
	s15 =	sadd.s32 $0x40, s15  }
0xfd: {  	s7 =	sadd.s32 $0x4, s7;
	v22 =	vmul.f32 v22, v51;
	v23 =	vmul.f32 v23, v50;
	v52 =	vld [tilespmem:s15+$0x0];
	[tilespmem:s16+$0xFFFFFE90] =	vst v55  }
0xfe: {  	v18 =	vmul.f32 v18, v31;
	v20 =	vmul.f32 v20, v30;
	p0 =	slt.u32 s7, $0x7C;
	v50 =	vld [tilespmem:s15+$0xFFFFFFD0];
	[tilespmem:s16+$0xFFFFFEA0] =	vst v54  }
0xff: {  	v16 =	vmul.f32 v16, v29;
	v17 =	vmul.f32 v17, v27;
	v30 =	vld [tilespmem:s9+$0xFFFFFFC8];
	[tilespmem:s16+$0xFFFFFEB0] =	vst v19  }
0x100: {  	v15 =	vmul.f32 v15, v28;
	v19 =	vld [tilespmem:s15+$0xFFFFFFE0];
	[tilespmem:s16+$0xFFFFFEC0] =	vst v21;
	v21 =	vmul.f32 v49, v26  }
0x101: {  	v27 =	vmul.f32 v48, v36;
	v26 =	vld [tilespmem:s9+$0xFFFFFFE0];
	[tilespmem:s16+$0xFFFFFED0] =	vst v22;
	v22 =	vmul.f32 v47, v38  }
0x102: {  	v31 =	vmul.f32 v46, v34;
	v28 =	vld [tilespmem:s15+$0xFFFFFFF0];
	v29 =	vadd.f32 v52, v56;
	[tilespmem:s16+$0xFFFFFEE0] =	vst v23;
	v23 =	vmul.f32 v45, v35  }
0x103: {  	v32 =	vmul.f32 v44, v32;
	v34 =	vld [tilespmem:s9+$0xFFFFFFB0];
	[tilespmem:s16+$0xFFFFFEF0] =	vst v18;
	v18 =	vmul.f32 v43, v33  }
0x104: {  	v14 =	vmul.f32 v42, v14;
	v33 =	vld [tilespmem:s9+$0xFFFFFFB8];
	v35 =	vmul.f32 $2.000000030e-01, v29;
	[tilespmem:s16+$0xFFFFFF00] =	vst v20  }
0x105: {  	v12 =	vmul.f32 v41, v12;
	v13 =	vmul.f32 v40, v13;
	v42 =	vld [tilespmem:s9+$0xFFFFFFD0];
	v19 =	vadd.f32 v19, v30;
	[tilespmem:s16+$0xFFFFFF10] =	vst v16  }
0x106: {  	v25 =	vmul.f32 v39, v25;
	v24 =	vmul.f32 v37, v24;
	v40 =	vld [tilespmem:s9+$0xFFFFFFE8];
	v16 =	vmax.f32 v29, v35;
	[tilespmem:s16+$0xFFFFFF20] =	vst v17  }
0x107: {  	v17 =	vmul.f32 $2.000000030e-01, v19;
	v20 =	vadd.f32 v28, v26;
	v16 =	vmul.f32 $1.442695020e+00, v16;
	[tilespmem:s16+$0xFFFFFF30] =	vst v15  }
0x108: {  	v15 =	vadd.f32 v50, v34;
	[tilespmem:s16+$0xFFFFFF40] =	vst v21  }
0x109: {  	v17 =	vmax.f32 v19, v17;
	v19 =	vmul.f32 $2.000000030e-01, v20;
	(erf) = vpow2.f32 v16;
	[tilespmem:s16+$0xFFFFFF50] =	vst v22  }
0x10a: {  	v16 =	vmul.f32 $2.000000030e-01, v15;
	v17 =	vmul.f32 $1.442695020e+00, v17;
	[tilespmem:s16+$0xFFFFFF60] =	vst v27  }
0x10b: {  	v54 =	vperm.xlane v33, v1;
	v56 =	vperm.xlane v33, v3;
	v19 =	vmax.f32 v20, v19;
	[tilespmem:s16+$0xFFFFFF70] =	vst v23  }
0x10c: {  	v15 =	vmax.f32 v15, v16;
	v16 =	vmul.f32 $1.442695020e+00, v19;
	(erf) = vpow2.f32 v17;
	[tilespmem:s16+$0xFFFFFF80] =	vst v31  }
0x10d: {  	v19 =	vperm.xlane v33, v5;
	v15 =	vmul.f32 $1.442695020e+00, v15;
	[tilespmem:s16+$0xFFFFFF90] =	vst v18  }
0x10e: {  	v21 =	vperm.xlane v33, v7;
	v37 =	vld [tilespmem:s9+$0x0];
	(erf) = vpow2.f32 v16;
	[tilespmem:s16+$0xFFFFFFA0] =	vst v32  }
0x10f: {  	v22 =	vperm.xlane v33, v9;
	(erf) = vpow2.f32 v15;
	[tilespmem:s16+$0xFFFFFFB0] =	vst v14  }
0x110: {  	v23 =	vperm.xlane v33, v11;
	v18 =	vperm.xlane v42, v1;
	[tilespmem:s16+$0xFFFFFFC0] =	vst v12  }
0x111: {  	v20 =	vperm.xlane v42, v3;
	v16 =	vperm.xlane v42, v5;
	[tilespmem:s16+$0xFFFFFFD0] =	vst v13  }
0x112: {  	v17 =	vperm.xlane v42, v7;
	v15 =	vperm.xlane v42, v9;
	v39 =	vpop (erf);
	[tilespmem:s16+$0xFFFFFFE0] =	vst v25  }
0x113: {  	v27 =	vperm.xlane v39, v10;
	v26 =	vperm.xlane v37, v11;
	[tilespmem:s16+$0xFFFFFFF0] =	vst v24  }
0x114: {  	v14 =	vperm.xlane v39, v0;
	v12 =	vperm.xlane v39, v2  }
0x115: {  	v13 =	vperm.xlane v39, v4;
	v26 =	vmul.f32 v26, v27;
	v25 =	vpop (erf)  }
0x116: {  	s16 =	sadd.s32 $0x180, s16;
	v31 =	vperm.xlane v25, v0;
	v30 =	vperm.xlane v25, v2  }
0x117: {  	v29 =	vperm.xlane v25, v4;
	v27 =	vperm.xlane v25, v6;
	[tilespmem:s16+$0x0] =	vst v26;
	v24 =	vpop (erf)  }
0x118: {  	v28 =	vperm.xlane v25, v8;
	v26 =	vperm.xlane v25, v10;
	v25 =	vpop (erf)  }
0x119: {  	v55 =	vperm.xlane v25, v0;
	v57 =	vperm.xlane v25, v2  }
0x11a: {  	v53 =	vperm.xlane v25, v4;
	v52 =	vperm.xlane v25, v6  }
0x11b: {  	v51 =	vperm.xlane v25, v8;
	v50 =	vperm.xlane v25, v10  }
0x11c: {  	v38 =	vperm.xlane v24, v0;
	v36 =	vperm.xlane v24, v2  }
0x11d: {  	v35 =	vperm.xlane v24, v4;
	v34 =	vperm.xlane v24, v6  }
0x11e: {  	v33 =	vperm.xlane v24, v8;
	v32 =	vperm.xlane v24, v10  }
0x11f: {  	v24 =	vperm.xlane v39, v8;
	v25 =	vperm.xlane v39, v6  }
0x120: {  	v49 =	vperm.xlane v42, v11;
	v47 =	vperm.xlane v40, v1  }
0x121: {  	v48 =	vperm.xlane v40, v3;
	v45 =	vperm.xlane v40, v5  }
.Ltmp1:
0x122: {  	v46 =	vperm.xlane v40, v7;
	v43 =	vperm.xlane v40, v9;
	(pc) =	sbr.rel @p0 .LBB2_5-.Ltmp1, $4  }
0x123: {  	v44 =	vperm.xlane v40, v11;
	v42 =	vperm.xlane v37, v1  }
0x124: {  	v41 =	vperm.xlane v37, v3;
	v40 =	vperm.xlane v37, v5  }
0x125: {  	v39 =	vperm.xlane v37, v7;
	v37 =	vperm.xlane v37, v9  }
0x126: {  	s9 =	sadd.s32 $0x60, s9;
	v55 =	vmul.f32 v54, v55;
	v54 =	vmul.f32 v56, v57  }
0x127: {  	_ = 	snop  }
0x128: {  	v19 =	vmul.f32 v19, v53;
	[tilespmem:s16+$0xFFFFFE90] =	vst v55  }
0x129: {  	v21 =	vmul.f32 v21, v52;
	[tilespmem:s16+$0xFFFFFEA0] =	vst v54  }
0x12a: {  	v22 =	vmul.f32 v22, v51;
	[tilespmem:s16+$0xFFFFFEB0] =	vst v19  }
0x12b: {  	v18 =	vmul.f32 v18, v31;
	[tilespmem:s16+$0xFFFFFEC0] =	vst v21  }
0x12c: {  	v20 =	vmul.f32 v20, v30;
	[tilespmem:s16+$0xFFFFFED0] =	vst v22  }
0x12d: {  	v16 =	vmul.f32 v16, v29;
	[tilespmem:s16+$0xFFFFFEF0] =	vst v18  }
0x12e: {  	v17 =	vmul.f32 v17, v27;
	[tilespmem:s16+$0xFFFFFF00] =	vst v20  }
0x12f: {  	v15 =	vmul.f32 v15, v28;
	[tilespmem:s16+$0xFFFFFF10] =	vst v16  }
0x130: {  	v56 =	vmul.f32 v47, v38;
	[tilespmem:s16+$0xFFFFFF20] =	vst v17  }
0x131: {  	v57 =	vmul.f32 v48, v36;
	[tilespmem:s16+$0xFFFFFF30] =	vst v15  }
0x132: {  	v58 =	vmul.f32 v45, v35;
	[tilespmem:s16+$0xFFFFFF50] =	vst v56  }
0x133: {  	v59 =	vmul.f32 v46, v34;
	[tilespmem:s16+$0xFFFFFF60] =	vst v57  }
0x134: {  	v60 =	vmul.f32 v43, v33;
	[tilespmem:s16+$0xFFFFFF70] =	vst v58  }
0x135: {  	v61 =	vmul.f32 v44, v32;
	[tilespmem:s16+$0xFFFFFF80] =	vst v59  }
0x136: {  	v14 =	vmul.f32 v42, v14;
	[tilespmem:s16+$0xFFFFFF90] =	vst v60  }
0x137: {  	v12 =	vmul.f32 v41, v12;
	[tilespmem:s16+$0xFFFFFFA0] =	vst v61  }
0x138: {  	v13 =	vmul.f32 v40, v13;
	[tilespmem:s16+$0xFFFFFFB0] =	vst v14  }
0x139: {  	v62 =	vmul.f32 v39, v25;
	s24 =	sadd.s32 $0x1, s24;
	[tilespmem:s16+$0xFFFFFFC0] =	vst v12  }
0x13a: {  	v63 =	vmul.f32 v37, v24;
	p0 =	sne.s32 s24, $0x14;
	[tilespmem:s16+$0xFFFFFFD0] =	vst v13  }
.Ltmp2:
0x13b: {  	v54 =	vmul.f32 v23, v50;
	[tilespmem:s16+$0xFFFFFFE0] =	vst v62;
	(pc) =	sbr.rel @p0 .LBB2_2-.Ltmp2, $4  }
0x13c: {  	v55 =	vmul.f32 v49, v26;
	[tilespmem:s16+$0xFFFFFFF0] =	vst v63  }
0x13d: {  	s6 =	sand.u32 $0x3FFFFF80, s6;
	[tilespmem:s16+$0xFFFFFEE0] =	vst v54  }
0x13e: {  	s6 =	sadd.s32 $0x10100, s6;
	[tilespmem:s16+$0xFFFFFF40] =	vst v55  }
0x13f: {  	[spmem:s2] =	stream.indirect.scatter.add.f32 [tilespmem:s20], [sflag:$0x6], $0x60, s6, s0, $0xb8;
	[tilespmem:$0x19DC0] =	vst v63  }
0x140: {  	_ =	swait.ge [sflag:s21], $0x3000  }
0x141: {  	[sflag:s21] =	ssyncset.done $0x0  }
0x142: {  	[sflag:s21] =	ssyncadd.s32 $0xFFFFD000  }
0x143: {  	_ =	swait.ge [sflag:s22], $0x3000  }
0x144: {  	s23 =	sadd.s32 $0x1, s23;
	[sflag:s22] =	ssyncset.done $0x0  }
0x145: {  	s6 =	simm.s32 $0x10;
	p0 =	sne.s32 s23, s12;
	[sflag:s22] =	ssyncadd.s32 $0xFFFFD000  }
.Ltmp3:
0x146: {  	s7 =	simm.s32 $0xC;
	[bflag:$0x0] =	sbarrier.arrive $0xFFFF;
	(pc) =	sbr.rel @p0 .LBB2_1-.Ltmp3, $4  }
0x147: {  	[hbm:s11@s6], [sflag:s8] =	dma.strided [spmem:s13@s7], $0x1DA0, s25, $0xc   }
0x148: {  	_ =	swait.ge [sflag:s14], $0x1DA0  }
0x149: {  	[sflag:s14] =	ssyncset.done $0x0  }
0x14a: {  	[sflag:s14] =	ssyncadd.s32 $0xFFFFE260  }
0x14b: {  	_ =	sfence.sel $0x180000  }
0x14c: {  	[bflag:$0x0] =	sbarrier.arrive $0xFFFF  }
0x14d: {  	_ =	strace $0x90000047  }
0x14e: {  	s0 =	stileid.u32;
	[bflag:$0x2] =	sbarrier.arrive $0xFFFF  }
0x14f: {  	p0 =	sne.s32 s0, $0x0;
	s0 =	rddreg [dreg:$0x3]  }
0x150: {  	s0 =	sadd.s32 @!p0 $0x100000, s0  }
0x151: {  	[sflag:s0] =	ssyncadd.tile.s32 @!p0 $0x1;
	_ =	shalt  }
.Lfunc_end2:
_tile_overlayer_lowered:
.L_overlay_start_2:
0x152: {  	(tag) =	ssettag $0x2  }
0x153: {  	s0 =	rddreg [dreg:$0x0];
	s2 =	stileid.u32  }
0x154: {  	s1 =	rddreg [dreg:$0x1];
	p0 =	sne.s32 s2, $0x0  }
0x155: {  	s3 =	rddreg [dreg:$0x2];
	[bflag:$0x3] =	sbarrier.arrive $0xFFFF;
	s2 =	simm.s32 @!p0 $0x1C07  }
0x156: {  	[timem:s3], [sflag:s2] =	dma.local @!p0 [hbm:s0], s1  }
0x157: {  	s0 =	simm.s32 @!p0 $0x7  }
0x158: {  	_ =	swait.ge @!p0 [sflag:s0], s1  }
0x159: {  	s1 =	ssub.s32 @!p0 $0x0, s1;
	[sflag:s0] =	ssyncset.done @!p0 $0x0  }
0x15a: {  	[sflag:s0] =	ssyncadd.s32 @!p0 s1  }
0x15b: {  	[bflag:$0x3] =	sbarrier.arrive $0xFFFF  }
0x15c: {  	_ =	shalt  }

</sc_bundles>
